<compile_context>
chip_gen: v7x
topology: tpu7x:2x2x1
jax: 0.10.2.dev20260603
libtpu: 0.0.44.dev20260713+nightly
codegen_flags: <defaults>
</compile_context>

<pallas_src>
import functools

import jax
import jax.numpy as jnp
from jax import lax
from jax.experimental import pallas as pl
from jax.experimental.pallas import tpu as pltpu
from jax.experimental.pallas import tpu_sc as plsc

_B, _N = 2, 6
_C_IN, _C_T, _D = 512, 64, 59
_FH, _FW = 16, 44
_NPIX = _FH * _FW
_BN = _B * _N
_G = 128
_PIXB = _N * _NPIX
_ROWS_PER_B = _G * _G
_WROWS = 33024
_TRASH = 2 * _ROWS_PER_B * _PIXB
_WSIZE = _WROWS * _PIXB

_NSC, _NSUB = 2, 16
_PTS_PER_B = _N * _D * _NPIX
_PPW = _PTS_PER_B // _NSUB
_CH = 128
_NCHUNK = -(-_PPW // _CH)
_PPWP = _NCHUNK * _CH
_PERSUB = _ROWS_PER_B * _PIXB // _NSUB
_ZBUF = 16384


def _stage_a_body(x_ref, w_ref, b_ref, key_ref, idx_ref, val_ref, imf_ref):
    bn = pl.program_id(0)
    feat = jnp.dot(w_ref[...], x_ref[0], preferred_element_type=jnp.float32,
                   precision=lax.Precision.HIGHEST) + b_ref[...]
    logits = feat[0:_D, :]
    m = jnp.max(logits, axis=0, keepdims=True)
    e = jnp.exp(logits - m)
    depth = e / jnp.sum(e, axis=0, keepdims=True)
    imf_ref[0] = feat[_D:_D + _C_T, :].T

    pixi = lax.broadcasted_iota(jnp.int32, (_D, _NPIX), 1)
    key = key_ref[0]
    kept = key >= 0
    cell = key

    flag = jnp.concatenate(
        [jnp.zeros((1, _NPIX), jnp.float32),
         (key[1:] == key[:-1]).astype(jnp.float32)], 0)
    acc = depth
    for sh in (1, 2, 4, 8, 16, 32):
        acc_sh = jnp.concatenate(
            [jnp.zeros((sh, _NPIX), jnp.float32), acc[:-sh]], 0)
        flag_sh = jnp.concatenate(
            [jnp.zeros((sh, _NPIX), jnp.float32), flag[:-sh]], 0)
        acc = acc + flag * acc_sh
        flag = flag * flag_sh
    end_f = jnp.concatenate(
        [(key[:-1] != key[1:]).astype(jnp.float32),
         jnp.ones((1, _NPIX), jnp.float32)], 0)
    emit = (end_f > 0.0) & kept

    b = bn // _N
    n = bn % _N
    col = n * _NPIX + pixi
    row = b * _ROWS_PER_B + cell
    di = lax.broadcasted_iota(jnp.int32, (_D, _NPIX), 0)
    p_global = (bn * _D + di) * _NPIX + pixi
    val_ref[0] = jnp.where(emit, acc, 0.0)
    idx_ref[0] = jnp.where(emit, row * _PIXB + col, _TRASH + p_global)


def _stage_a(x2, w_pad, b_pad, key, interpret=False):
    return pl.pallas_call(
        _stage_a_body,
        grid=(_BN,),
        in_specs=[
            pl.BlockSpec((1, _C_IN, _NPIX), lambda i: (i, 0, 0)),
            pl.BlockSpec((128, _C_IN), lambda i: (0, 0)),
            pl.BlockSpec((128, 1), lambda i: (0, 0)),
            pl.BlockSpec((1, _D, _NPIX), lambda i: (i, 0, 0)),
        ],
        out_specs=[
            pl.BlockSpec((1, _D, _NPIX), lambda i: (i, 0, 0)),
            pl.BlockSpec((1, _D, _NPIX), lambda i: (i, 0, 0)),
            pl.BlockSpec((1, _NPIX, _C_T), lambda i: (i, 0, 0)),
        ],
        out_shape=[
            jax.ShapeDtypeStruct((_BN, _D, _NPIX), jnp.int32),
            jax.ShapeDtypeStruct((_BN, _D, _NPIX), jnp.float32),
            jax.ShapeDtypeStruct((_BN, _NPIX, _C_T), jnp.float32),
        ],
        interpret=interpret,
    )(x2, w_pad, b_pad, key)


def _sc_scatter_body(idx_hbm, val_hbm, w_hbm, zbuf, idxb, valb, zsem, ssem):
    c = lax.axis_index("c")
    s = lax.axis_index("s")

    def zinit(i, carry):
        zbuf[pl.ds(i * 16, 16)] = jnp.zeros((16,), jnp.float32)
        return carry
    lax.fori_loop(0, _ZBUF // 16, zinit, 0)

    base = c * (_ROWS_PER_B * _PIXB) + s * _PERSUB

    def zdma(i, carry):
        cps = [pltpu.async_copy(
            zbuf, w_hbm.at[pl.ds(base + (i * 4 + k) * _ZBUF, _ZBUF)], zsem)
            for k in range(4)]
        for cp in cps:
            cp.wait()
        return carry
    lax.fori_loop(0, _PERSUB // _ZBUF // 4, zdma, 0)

    plsc.subcore_barrier()

    pltpu.sync_copy(idx_hbm.at[c, s], idxb)
    pltpu.sync_copy(val_hbm.at[c, s], valb)

    def sc(i, carry):
        cps = [pltpu.async_copy(
            valb.at[i * 2 + k], w_hbm.at[idxb.at[i * 2 + k]], ssem)
            for k in range(2)]
        for cp in cps:
            cp.wait()
        return carry
    lax.fori_loop(0, _NCHUNK // 2, sc, 0)


@functools.cache
def _make_sc_scatter():
    return pl.kernel(
        _sc_scatter_body,
        out_type=jax.ShapeDtypeStruct((_WSIZE,), jnp.float32),
        mesh=plsc.VectorSubcoreMesh(core_axis_name="c", subcore_axis_name="s"),
        scratch_types=[
            pltpu.VMEM((_ZBUF,), jnp.float32),
            pltpu.VMEM((_NCHUNK, _CH), jnp.int32),
            pltpu.VMEM((_NCHUNK, _CH), jnp.float32),
            pltpu.SemaphoreType.DMA,
            pltpu.SemaphoreType.DMA,
        ],
    )


def _stage_c_body(w_ref, imf_ref, out_ref):
    out_ref[0] = jnp.dot(w_ref[...], imf_ref[0],
                         preferred_element_type=jnp.float32)


def _stage_c(w2, imf_b, interpret=False):
    return pl.pallas_call(
        _stage_c_body,
        grid=(_B, _ROWS_PER_B // 256),
        in_specs=[
            pl.BlockSpec((256, _PIXB), lambda b, m: (b * 64 + m, 0)),
            pl.BlockSpec((1, _PIXB, _C_T), lambda b, m: (b, 0, 0)),
        ],
        out_specs=pl.BlockSpec((1, 256, _C_T), lambda b, m: (b, m, 0)),
        out_shape=jax.ShapeDtypeStruct((_B, _ROWS_PER_B, _C_T), jnp.float32),
        interpret=interpret,
    )(w2, imf_b)


def _voxel_key(rots, trans, intrins, post_rots, post_trans):
    ds = (jnp.arange(1.0, 60.0, 1.0, dtype=jnp.float32).reshape(_D, 1, 1)
          * jnp.ones((_D, _FH, _FW), jnp.float32))
    xs = (jnp.linspace(0.0, 704 - 1.0, _FW, dtype=jnp.float32)
          .reshape(1, 1, _FW) * jnp.ones((_D, _FH, _FW), jnp.float32))
    ys = (jnp.linspace(0.0, 256 - 1.0, _FH, dtype=jnp.float32)
          .reshape(1, _FH, 1) * jnp.ones((_D, _FH, _FW), jnp.float32))
    frustum = jnp.stack((xs, ys, ds), -1)
    pts = frustum[None, None] - post_trans[:, :, None, None, None, :]
    inv_pr = jnp.linalg.inv(post_rots)
    pts = jnp.einsum('bnij,bndhwj->bndhwi', inv_pr, pts)
    pts = jnp.concatenate([pts[..., :2] * pts[..., 2:3], pts[..., 2:3]], -1)
    combine = rots @ jnp.linalg.inv(intrins)
    pts = (jnp.einsum('bnij,bndhwj->bndhwi', combine, pts)
           + trans[:, :, None, None, None, :])
    dx = jnp.array([0.8, 0.8, 20.0], dtype=jnp.float32)
    bx = jnp.array([-50.8, -50.8, 0.0], dtype=jnp.float32)
    g = ((pts - (bx - dx / 2.0)) / dx).astype(jnp.int32)
    kept = ((g[..., 0] >= 0) & (g[..., 0] < _G) & (g[..., 1] >= 0)
            & (g[..., 1] < _G) & (g[..., 2] >= 0) & (g[..., 2] < 1))
    cell = g[..., 0] * _G + g[..., 1]
    return jnp.where(kept, cell, -1).reshape(_BN, _D, _NPIX)


def kernel(x, rots, trans, intrins, post_rots, post_trans, W_depth, b_depth):
    x2 = x.reshape(_BN, _C_IN, _NPIX)
    w_pad = jnp.zeros((128, _C_IN), jnp.float32).at[:_D + _C_T].set(W_depth)
    b_pad = jnp.zeros((128, 1), jnp.float32).at[:_D + _C_T, 0].set(b_depth)
    key = _voxel_key(rots, trans, intrins, post_rots, post_trans)

    idx, val, imf = _stage_a(x2, w_pad, b_pad, key)

    idx2 = idx.reshape(_B, _PTS_PER_B)
    val2 = val.reshape(_B, _PTS_PER_B)
    pad = _NSUB * _PPWP - _PTS_PER_B
    pad_idx = (_TRASH + _B * _PTS_PER_B
               + jnp.arange(_B * pad, dtype=jnp.int32).reshape(_B, pad))
    idx4 = jnp.concatenate([idx2, pad_idx], axis=1)
    idx4 = idx4.reshape(_B, _NSUB, _NCHUNK, _CH)
    val4 = jnp.pad(val2, ((0, 0), (0, pad))).reshape(_B, _NSUB, _NCHUNK, _CH)

    w_flat = _make_sc_scatter()(idx4, val4)
    w2 = w_flat.reshape(_WROWS, _PIXB)

    imf_b = imf.reshape(_B, _PIXB, _C_T)
    out = _stage_c(w2, imf_b)
    return (out.reshape(_B, _G, _G, _C_T).transpose(0, 3, 1, 2)
            .reshape(_B, _C_T, _G, _G))

# --- scband reference (transcript-rebuilt; emitter-appended) ---
"""Pipeline reference for scband-lss-dev-91018946937221 (READ-ONLY COPY).

The authoritative reference and input builder live on the scoring server;
editing this copy changes nothing except your own understanding.
"""

import jax, jax.numpy as jnp
import numpy as np

B, N = 2, 6
C_IN = 512
C_T = 64
FH, FW = 16, 44
OGH, OGW = 256, 704
D = 59
DX = jnp.array([0.8, 0.8, 20.0], dtype=jnp.float32)
BX = jnp.array([-50.8, -50.8, 0.0], dtype=jnp.float32)
NX = (128, 128, 1)


def create_frustum():
    ds = jnp.arange(1.0, 60.0, 1.0, dtype=jnp.float32).reshape(D, 1, 1) * jnp.ones((D, FH, FW), jnp.float32)
    xs = jnp.linspace(0.0, OGW - 1.0, FW, dtype=jnp.float32).reshape(1, 1, FW) * jnp.ones((D, FH, FW), jnp.float32)
    ys = jnp.linspace(0.0, OGH - 1.0, FH, dtype=jnp.float32).reshape(1, FH, 1) * jnp.ones((D, FH, FW), jnp.float32)
    return jnp.stack((xs, ys, ds), -1)


def setup_inputs(seed: int = 0) -> dict:
    key = jax.random.key(seed)
    k1, k2, k3 = jax.random.split(key, 3)
    x = jax.random.normal(k1, (B, N, C_IN, FH, FW), jnp.float32)
    base = np.array([[0.0, 0.0, 1.0], [-1.0, 0.0, 0.0], [0.0, -1.0, 0.0]], dtype=np.float32)
    rots_np = np.zeros((B, N, 3, 3), np.float32)
    for i in range(N):
        yaw = 2.0 * np.pi * i / N
        Rz = np.array([[np.cos(yaw), -np.sin(yaw), 0.0], [np.sin(yaw), np.cos(yaw), 0.0], [0.0, 0.0, 1.0]], np.float32)
        rots_np[:, i] = Rz @ base
    rots = jnp.asarray(rots_np)
    trans = jnp.tile(jnp.array([1.0, 0.0, 1.5], jnp.float32), (B, N, 1))
    K = np.array([[1266.4, 0.0, 816.3], [0.0, 1266.4, 491.5], [0.0, 0.0, 1.0]], np.float32)
    intrins = jnp.tile(jnp.asarray(K), (B, N, 1, 1))
    PR = np.diag([0.44, 0.44, 1.0]).astype(np.float32)
    post_rots = jnp.tile(jnp.asarray(PR), (B, N, 1, 1))
    post_trans = jnp.zeros((B, N, 3), jnp.float32)
    W_depth = jax.random.normal(k2, (D + C_T, C_IN), jnp.float32) * 0.02
    b_depth = jnp.zeros((D + C_T,), jnp.float32)
    return {"x": x, "rots": rots, "trans": trans, "intrins": intrins, "post_rots": post_rots, "post_trans": post_trans, "W_depth": W_depth, "b_depth": b_depth}


def reference(x, rots, trans, intrins, post_rots, post_trans, W_depth, b_depth):
    frustum = create_frustum()
    x2 = x.reshape(B * N, C_IN, FH, FW)
    feat = jnp.einsum('oc,bchw->bohw', W_depth, x2) + b_depth[None, :, None, None]
    depth = jax.nn.softmax(feat[:, :D], axis=1)
    imf = feat[:, D:D + C_T]
    vol = depth[:, None] * imf[:, :, None]
    vol = vol.reshape(B, N, C_T, D, FH, FW).transpose(0, 1, 3, 4, 5, 2)
    pts = frustum[None, None] - post_trans[:, :, None, None, None, :]
    inv_pr = jnp.linalg.inv(post_rots)
    pts = jnp.einsum('bnij,bndhwj->bndhwi', inv_pr, pts)
    pts = jnp.concatenate([pts[..., :2] * pts[..., 2:3], pts[..., 2:3]], -1)
    combine = rots @ jnp.linalg.inv(intrins)
    pts = jnp.einsum('bnij,bndhwj->bndhwi', combine, pts) + trans[:, :, None, None, None, :]
    Np = B * N * D * FH * FW
    xf = vol.reshape(Np, C_T)
    g = ((pts - (BX - DX / 2.0)) / DX).astype(jnp.int32).reshape(Np, 3)
    batch_ix = jnp.repeat(jnp.arange(B, dtype=jnp.int32), Np // B)
    kept = (g[:, 0] >= 0) & (g[:, 0] < NX[0]) & (g[:, 1] >= 0) & (g[:, 1] < NX[1]) & (g[:, 2] >= 0) & (g[:, 2] < NX[2])
    nseg = B * NX[2] * NX[0] * NX[1]
    flat = ((batch_ix * NX[2] + g[:, 2]) * NX[0] + g[:, 0]) * NX[1] + g[:, 1]
    flat = jnp.where(kept, flat, nseg)
    final = jax.ops.segment_sum(xf, flat, num_segments=nseg + 1)[:nseg]
    final = final.reshape(B, NX[2], NX[0], NX[1], C_T).transpose(0, 4, 1, 2, 3)
    bev = final.reshape(B, C_T * NX[2], NX[0], NX[1])
    return bev

if __name__ == "__main__":
    import jax
    _d = setup_inputs()
    print(jax.jit(kernel)(*tuple(_d.values())))

</pallas_src>

<mosaic_0001>
#map = affine_map<(d0, d1) -> (0, 0, 0, 0)>
#map1 = affine_map<(d0, d1) -> (0)>
module attributes {stable_mosaic.version = 14 : i64} {
  func.func @_sc_scatter_body(%arg0: i32, %arg1: i32, %arg2: memref<2x16x122x128xi32, #tpu.memory_space<hbm>>, %arg3: memref<2x16x122x128xf32, #tpu.memory_space<hbm>>, %arg4: memref<139493376xf32, #tpu.memory_space<hbm>>, %arg5: memref<16384xf32, #tpu.memory_space<vmem>>, %arg6: memref<122x128xi32, #tpu.memory_space<vmem>>, %arg7: memref<122x128xf32, #tpu.memory_space<vmem>>, %arg8: memref<!tpu.dma_semaphore, #tpu.memory_space<semaphore_mem>>, %arg9: memref<!tpu.dma_semaphore, #tpu.memory_space<semaphore_mem>>) attributes {dimension_semantics = [#tpu.dimension_semantics<core_parallel>, #tpu.dimension_semantics<subcore_parallel>], iteration_bounds = array<i64: 2, 16>, scalar_prefetch = 0 : i64, scratch_operands = 5 : i64, tpu.core_type = #tpu.core_type<sc_vector_subcore>, window_params = [{transform_indices = #map}, {transform_indices = #map}, {transform_indices = #map1}]} {
    %scan3A = arith.constant 0 : i32
    %scan3A_0 = arith.constant 0 : i32
    %scan3A_1 = arith.constant 1024 : i32
    %scan3A_2 = arith.addi %scan3A_0, %scan3A_1 : i32
    %scan3A_3 = arith.constant 1 : i32
    scf.for %scan3A_20 = %scan3A_0 to %scan3A_2 step %scan3A_3  : i32 {
      %broadcast_in_dim3A = arith.constant 0.000000e+00 : f32
      %broadcast_in_dim3A_21 = vector.broadcast %broadcast_in_dim3A : f32 to vector<16xf32>
      %mul3A_22 = arith.constant 16 : i32
      %mul3A_23 = arith.muli %scan3A_20, %mul3A_22 : i32
      %swap3A = arith.index_cast %mul3A_23 : i32 to index
      %swap3A_24 = tpu.vector_load %arg5[%swap3A] {strides = array<i32>} : memref<16384xf32, #tpu.memory_space<vmem>>, vector<16xf32>,
      %swap3A_25 = vector.shape_cast %swap3A_24 : vector<16xf32> to vector<16xf32>
      %swap3A_26 = vector.shape_cast %broadcast_in_dim3A_21 : vector<16xf32> to vector<16xf32>
      tpu.vector_store %arg5[%swap3A], %swap3A_26 {strides = array<i32>} : memref<16384xf32, #tpu.memory_space<vmem>>, vector<16xf32>,
    }
    %scan3A_4 = arith.constant 1024 : i32
    %mul3A = arith.constant 69206016 : i32
    %mul3A_5 = arith.muli %arg0, %mul3A : i32
    %mul3A_6 = arith.constant 4325376 : i32
    %mul3A_7 = arith.muli %arg1, %mul3A_6 : i32
    %add3A = arith.addi %mul3A_5, %mul3A_7 : i32
    %scan3A_8 = arith.constant 0 : i32
    %scan3A_9 = arith.constant 0 : i32
    %scan3A_10 = arith.constant 66 : i32
    %scan3A_11 = arith.addi %scan3A_9, %scan3A_10 : i32
    %scan3A_12 = arith.constant 1 : i32
    scf.for %scan3A_20 = %scan3A_9 to %scan3A_11 step %scan3A_12  : i32 {
      %mul3A_21 = arith.constant 4 : i32
      %mul3A_22 = arith.muli %scan3A_20, %mul3A_21 : i32
      %add3A_23 = arith.constant 0 : i32
      %add3A_24 = arith.addi %mul3A_22, %add3A_23 : i32
      %mul3A_25 = arith.constant 16384 : i32
      %mul3A_26 = arith.muli %add3A_24, %mul3A_25 : i32
      %add3A_27 = arith.addi %add3A, %mul3A_26 : i32
      %dma_start3A = tpu.memref_slice %arg4[%add3A_27] : memref<139493376xf32, #tpu.memory_space<hbm>> -> memref<16384xf32, #tpu.memory_space<hbm>>
      %dma_start3A_28 = tpu.memref_slice %arg4[%add3A_27] : memref<139493376xf32, #tpu.memory_space<hbm>> -> memref<16384xf32, #tpu.memory_space<hbm>>
      tpu.enqueue_dma source(%arg5 : memref<16384xf32, #tpu.memory_space<vmem>>) target(%dma_start3A_28 : memref<16384xf32, #tpu.memory_space<hbm>>) target_semaphore(%arg8 : memref<!tpu.dma_semaphore, #tpu.memory_space<semaphore_mem>>)
      %mul3A_29 = arith.constant 4 : i32
      %mul3A_30 = arith.muli %scan3A_20, %mul3A_29 : i32
      %add3A_31 = arith.constant 1 : i32
      %add3A_32 = arith.addi %mul3A_30, %add3A_31 : i32
      %mul3A_33 = arith.constant 16384 : i32
      %mul3A_34 = arith.muli %add3A_32, %mul3A_33 : i32
      %add3A_35 = arith.addi %add3A, %mul3A_34 : i32
      %dma_start3A_36 = tpu.memref_slice %arg4[%add3A_35] : memref<139493376xf32, #tpu.memory_space<hbm>> -> memref<16384xf32, #tpu.memory_space<hbm>>
      %dma_start3A_37 = tpu.memref_slice %arg4[%add3A_35] : memref<139493376xf32, #tpu.memory_space<hbm>> -> memref<16384xf32, #tpu.memory_space<hbm>>
      tpu.enqueue_dma source(%arg5 : memref<16384xf32, #tpu.memory_space<vmem>>) target(%dma_start3A_37 : memref<16384xf32, #tpu.memory_space<hbm>>) target_semaphore(%arg8 : memref<!tpu.dma_semaphore, #tpu.memory_space<semaphore_mem>>)
      %mul3A_38 = arith.constant 4 : i32
      %mul3A_39 = arith.muli %scan3A_20, %mul3A_38 : i32
      %add3A_40 = arith.constant 2 : i32
      %add3A_41 = arith.addi %mul3A_39, %add3A_40 : i32
      %mul3A_42 = arith.constant 16384 : i32
      %mul3A_43 = arith.muli %add3A_41, %mul3A_42 : i32
      %add3A_44 = arith.addi %add3A, %mul3A_43 : i32
      %dma_start3A_45 = tpu.memref_slice %arg4[%add3A_44] : memref<139493376xf32, #tpu.memory_space<hbm>> -> memref<16384xf32, #tpu.memory_space<hbm>>
      %dma_start3A_46 = tpu.memref_slice %arg4[%add3A_44] : memref<139493376xf32, #tpu.memory_space<hbm>> -> memref<16384xf32, #tpu.memory_space<hbm>>
      tpu.enqueue_dma source(%arg5 : memref<16384xf32, #tpu.memory_space<vmem>>) target(%dma_start3A_46 : memref<16384xf32, #tpu.memory_space<hbm>>) target_semaphore(%arg8 : memref<!tpu.dma_semaphore, #tpu.memory_space<semaphore_mem>>)
      %mul3A_47 = arith.constant 4 : i32
      %mul3A_48 = arith.muli %scan3A_20, %mul3A_47 : i32
      %add3A_49 = arith.constant 3 : i32
      %add3A_50 = arith.addi %mul3A_48, %add3A_49 : i32
      %mul3A_51 = arith.constant 16384 : i32
      %mul3A_52 = arith.muli %add3A_50, %mul3A_51 : i32
      %add3A_53 = arith.addi %add3A, %mul3A_52 : i32
      %dma_start3A_54 = tpu.memref_slice %arg4[%add3A_53] : memref<139493376xf32, #tpu.memory_space<hbm>> -> memref<16384xf32, #tpu.memory_space<hbm>>
      %dma_start3A_55 = tpu.memref_slice %arg4[%add3A_53] : memref<139493376xf32, #tpu.memory_space<hbm>> -> memref<16384xf32, #tpu.memory_space<hbm>>
      tpu.enqueue_dma source(%arg5 : memref<16384xf32, #tpu.memory_space<vmem>>) target(%dma_start3A_55 : memref<16384xf32, #tpu.memory_space<hbm>>) target_semaphore(%arg8 : memref<!tpu.dma_semaphore, #tpu.memory_space<semaphore_mem>>)
      %dma_wait3A = tpu.memref_slice %arg4[%add3A_27] : memref<139493376xf32, #tpu.memory_space<hbm>> -> memref<16384xf32, #tpu.memory_space<hbm>>
      %dma_wait3A_56 = tpu.memref_slice %arg4[%add3A_27] : memref<139493376xf32, #tpu.memory_space<hbm>> -> memref<16384xf32, #tpu.memory_space<hbm>>
      tpu.wait_dma2 semaphore(%arg8 : memref<!tpu.dma_semaphore, #tpu.memory_space<semaphore_mem>>) src(%arg5 : memref<16384xf32, #tpu.memory_space<vmem>>) dst(%dma_wait3A_56 : memref<16384xf32, #tpu.memory_space<hbm>>)
      %dma_wait3A_57 = tpu.memref_slice %arg4[%add3A_35] : memref<139493376xf32, #tpu.memory_space<hbm>> -> memref<16384xf32, #tpu.memory_space<hbm>>
      %dma_wait3A_58 = tpu.memref_slice %arg4[%add3A_35] : memref<139493376xf32, #tpu.memory_space<hbm>> -> memref<16384xf32, #tpu.memory_space<hbm>>
      tpu.wait_dma2 semaphore(%arg8 : memref<!tpu.dma_semaphore, #tpu.memory_space<semaphore_mem>>) src(%arg5 : memref<16384xf32, #tpu.memory_space<vmem>>) dst(%dma_wait3A_58 : memref<16384xf32, #tpu.memory_space<hbm>>)
      %dma_wait3A_59 = tpu.memref_slice %arg4[%add3A_44] : memref<139493376xf32, #tpu.memory_space<hbm>> -> memref<16384xf32, #tpu.memory_space<hbm>>
      %dma_wait3A_60 = tpu.memref_slice %arg4[%add3A_44] : memref<139493376xf32, #tpu.memory_space<hbm>> -> memref<16384xf32, #tpu.memory_space<hbm>>
      tpu.wait_dma2 semaphore(%arg8 : memref<!tpu.dma_semaphore, #tpu.memory_space<semaphore_mem>>) src(%arg5 : memref<16384xf32, #tpu.memory_space<vmem>>) dst(%dma_wait3A_60 : memref<16384xf32, #tpu.memory_space<hbm>>)
      %dma_wait3A_61 = tpu.memref_slice %arg4[%add3A_53] : memref<139493376xf32, #tpu.memory_space<hbm>> -> memref<16384xf32, #tpu.memory_space<hbm>>
      %dma_wait3A_62 = tpu.memref_slice %arg4[%add3A_53] : memref<139493376xf32, #tpu.memory_space<hbm>> -> memref<16384xf32, #tpu.memory_space<hbm>>
      tpu.wait_dma2 semaphore(%arg8 : memref<!tpu.dma_semaphore, #tpu.memory_space<semaphore_mem>>) src(%arg5 : memref<16384xf32, #tpu.memory_space<vmem>>) dst(%dma_wait3A_62 : memref<16384xf32, #tpu.memory_space<hbm>>)
    }
    %scan3A_13 = arith.constant 66 : i32
    %barrier3A = arith.constant 0 : index
    tpu.barrier barrier_id(%barrier3A)
    "tpu.region"() ({
      %run_scoped3A = tpu.sem_alloc : memref<!tpu.dma_semaphore, #tpu.memory_space<semaphore_mem>>
      %dma_start3A = arith.constant 0 : i32
      %dma_start3A_20 = arith.constant 0 : i32
      %dma_start3A_21 = tpu.memref_slice %arg2[%arg0, %arg1, %dma_start3A, %dma_start3A_20] : memref<2x16x122x128xi32, #tpu.memory_space<hbm>> -> memref<1x1x122x128xi32, #tpu.memory_space<hbm>>
      %dma_start3A_22 = tpu.memref_squeeze %dma_start3A_21 : memref<1x1x122x128xi32, #tpu.memory_space<hbm>> -> memref<122x128xi32, #tpu.memory_space<hbm>>
      %dma_start3A_23 = arith.constant 0 : i32
      %dma_start3A_24 = arith.constant 0 : i32
      %dma_start3A_25 = tpu.memref_slice %arg2[%arg0, %arg1, %dma_start3A_23, %dma_start3A_24] : memref<2x16x122x128xi32, #tpu.memory_space<hbm>> -> memref<1x1x122x128xi32, #tpu.memory_space<hbm>>
      %dma_start3A_26 = tpu.memref_squeeze %dma_start3A_25 : memref<1x1x122x128xi32, #tpu.memory_space<hbm>> -> memref<122x128xi32, #tpu.memory_space<hbm>>
      tpu.enqueue_dma source(%dma_start3A_26 : memref<122x128xi32, #tpu.memory_space<hbm>>) target(%arg6 : memref<122x128xi32, #tpu.memory_space<vmem>>) target_semaphore(%run_scoped3A : memref<!tpu.dma_semaphore, #tpu.memory_space<semaphore_mem>>)
      %dma_wait3A = arith.constant 0 : i32
      %dma_wait3A_27 = arith.constant 0 : i32
      %dma_wait3A_28 = tpu.memref_slice %arg2[%arg0, %arg1, %dma_wait3A, %dma_wait3A_27] : memref<2x16x122x128xi32, #tpu.memory_space<hbm>> -> memref<1x1x122x128xi32, #tpu.memory_space<hbm>>
      %dma_wait3A_29 = tpu.memref_squeeze %dma_wait3A_28 : memref<1x1x122x128xi32, #tpu.memory_space<hbm>> -> memref<122x128xi32, #tpu.memory_space<hbm>>
      %dma_wait3A_30 = arith.constant 0 : i32
      %dma_wait3A_31 = arith.constant 0 : i32
      %dma_wait3A_32 = tpu.memref_slice %arg2[%arg0, %arg1, %dma_wait3A_30, %dma_wait3A_31] : memref<2x16x122x128xi32, #tpu.memory_space<hbm>> -> memref<1x1x122x128xi32, #tpu.memory_space<hbm>>
      %dma_wait3A_33 = tpu.memref_squeeze %dma_wait3A_32 : memref<1x1x122x128xi32, #tpu.memory_space<hbm>> -> memref<122x128xi32, #tpu.memory_space<hbm>>
      tpu.wait_dma2 semaphore(%run_scoped3A : memref<!tpu.dma_semaphore, #tpu.memory_space<semaphore_mem>>) src(%dma_wait3A_33 : memref<122x128xi32, #tpu.memory_space<hbm>>) dst(%arg6 : memref<122x128xi32, #tpu.memory_space<vmem>>)
      tpu.yield
    }) : () -> ()
    "tpu.region"() ({
      %run_scoped3A = tpu.sem_alloc : memref<!tpu.dma_semaphore, #tpu.memory_space<semaphore_mem>>
      %dma_start3A = arith.constant 0 : i32
      %dma_start3A_20 = arith.constant 0 : i32
      %dma_start3A_21 = tpu.memref_slice %arg3[%arg0, %arg1, %dma_start3A, %dma_start3A_20] : memref<2x16x122x128xf32, #tpu.memory_space<hbm>> -> memref<1x1x122x128xf32, #tpu.memory_space<hbm>>
      %dma_start3A_22 = tpu.memref_squeeze %dma_start3A_21 : memref<1x1x122x128xf32, #tpu.memory_space<hbm>> -> memref<122x128xf32, #tpu.memory_space<hbm>>
      %dma_start3A_23 = arith.constant 0 : i32
      %dma_start3A_24 = arith.constant 0 : i32
      %dma_start3A_25 = tpu.memref_slice %arg3[%arg0, %arg1, %dma_start3A_23, %dma_start3A_24] : memref<2x16x122x128xf32, #tpu.memory_space<hbm>> -> memref<1x1x122x128xf32, #tpu.memory_space<hbm>>
      %dma_start3A_26 = tpu.memref_squeeze %dma_start3A_25 : memref<1x1x122x128xf32, #tpu.memory_space<hbm>> -> memref<122x128xf32, #tpu.memory_space<hbm>>
      tpu.enqueue_dma source(%dma_start3A_26 : memref<122x128xf32, #tpu.memory_space<hbm>>) target(%arg7 : memref<122x128xf32, #tpu.memory_space<vmem>>) target_semaphore(%run_scoped3A : memref<!tpu.dma_semaphore, #tpu.memory_space<semaphore_mem>>)
      %dma_wait3A = arith.constant 0 : i32
      %dma_wait3A_27 = arith.constant 0 : i32
      %dma_wait3A_28 = tpu.memref_slice %arg3[%arg0, %arg1, %dma_wait3A, %dma_wait3A_27] : memref<2x16x122x128xf32, #tpu.memory_space<hbm>> -> memref<1x1x122x128xf32, #tpu.memory_space<hbm>>
      %dma_wait3A_29 = tpu.memref_squeeze %dma_wait3A_28 : memref<1x1x122x128xf32, #tpu.memory_space<hbm>> -> memref<122x128xf32, #tpu.memory_space<hbm>>
      %dma_wait3A_30 = arith.constant 0 : i32
      %dma_wait3A_31 = arith.constant 0 : i32
      %dma_wait3A_32 = tpu.memref_slice %arg3[%arg0, %arg1, %dma_wait3A_30, %dma_wait3A_31] : memref<2x16x122x128xf32, #tpu.memory_space<hbm>> -> memref<1x1x122x128xf32, #tpu.memory_space<hbm>>
      %dma_wait3A_33 = tpu.memref_squeeze %dma_wait3A_32 : memref<1x1x122x128xf32, #tpu.memory_space<hbm>> -> memref<122x128xf32, #tpu.memory_space<hbm>>
      tpu.wait_dma2 semaphore(%run_scoped3A : memref<!tpu.dma_semaphore, #tpu.memory_space<semaphore_mem>>) src(%dma_wait3A_33 : memref<122x128xf32, #tpu.memory_space<hbm>>) dst(%arg7 : memref<122x128xf32, #tpu.memory_space<vmem>>)
      tpu.yield
    }) : () -> ()
    %scan3A_14 = arith.constant 0 : i32
    %scan3A_15 = arith.constant 0 : i32
    %scan3A_16 = arith.constant 61 : i32
    %scan3A_17 = arith.addi %scan3A_15, %scan3A_16 : i32
    %scan3A_18 = arith.constant 1 : i32
    scf.for %scan3A_20 = %scan3A_15 to %scan3A_17 step %scan3A_18  : i32 {
      %mul3A_21 = arith.constant 2 : i32
      %mul3A_22 = arith.muli %scan3A_20, %mul3A_21 : i32
      %add3A_23 = arith.constant 0 : i32
      %add3A_24 = arith.addi %mul3A_22, %add3A_23 : i32
      %mul3A_25 = arith.constant 2 : i32
      %mul3A_26 = arith.muli %scan3A_20, %mul3A_25 : i32
      %add3A_27 = arith.constant 0 : i32
      %add3A_28 = arith.addi %mul3A_26, %add3A_27 : i32
      %dma_start3A = arith.constant 0 : i32
      %dma_start3A_29 = tpu.memref_slice %arg7[%add3A_24, %dma_start3A] : memref<122x128xf32, #tpu.memory_space<vmem>> -> memref<1x128xf32, #tpu.memory_space<vmem>>
      %dma_start3A_30 = tpu.memref_squeeze %dma_start3A_29 : memref<1x128xf32, #tpu.memory_space<vmem>> -> memref<128xf32, #tpu.memory_space<vmem>>
      %dma_start3A_31 = arith.constant 0 : i32
      %dma_start3A_32 = tpu.memref_slice %arg6[%add3A_28, %dma_start3A_31] : memref<122x128xi32, #tpu.memory_space<vmem>> -> memref<1x128xi32, #tpu.memory_space<vmem>>
      %dma_start3A_33 = tpu.memref_squeeze %dma_start3A_32 : memref<1x128xi32, #tpu.memory_space<vmem>> -> memref<128xi32, #tpu.memory_space<vmem>>
      %dma_start3A_34 = arith.constant 0 : i32
      %dma_start3A_35 = tpu.memref_slice %arg4[%dma_start3A_34] : memref<139493376xf32, #tpu.memory_space<hbm>> -> memref<139493376xf32, #tpu.memory_space<hbm>>
      tpu.enqueue_indirect_dma source(%dma_start3A_30 : memref<128xf32, #tpu.memory_space<vmem>>) target(%dma_start3A_35 : memref<139493376xf32, #tpu.memory_space<hbm>>) offsets(%dma_start3A_33 : memref<128xi32, #tpu.memory_space<vmem>>) semaphore(%arg9 : memref<!tpu.dma_semaphore, #tpu.memory_space<semaphore_mem>>)
      %mul3A_36 = arith.constant 2 : i32
      %mul3A_37 = arith.muli %scan3A_20, %mul3A_36 : i32
      %add3A_38 = arith.constant 1 : i32
      %add3A_39 = arith.addi %mul3A_37, %add3A_38 : i32
      %mul3A_40 = arith.constant 2 : i32
      %mul3A_41 = arith.muli %scan3A_20, %mul3A_40 : i32
      %add3A_42 = arith.constant 1 : i32
      %add3A_43 = arith.addi %mul3A_41, %add3A_42 : i32
      %dma_start3A_44 = arith.constant 0 : i32
      %dma_start3A_45 = tpu.memref_slice %arg7[%add3A_39, %dma_start3A_44] : memref<122x128xf32, #tpu.memory_space<vmem>> -> memref<1x128xf32, #tpu.memory_space<vmem>>
      %dma_start3A_46 = tpu.memref_squeeze %dma_start3A_45 : memref<1x128xf32, #tpu.memory_space<vmem>> -> memref<128xf32, #tpu.memory_space<vmem>>
      %dma_start3A_47 = arith.constant 0 : i32
      %dma_start3A_48 = tpu.memref_slice %arg6[%add3A_43, %dma_start3A_47] : memref<122x128xi32, #tpu.memory_space<vmem>> -> memref<1x128xi32, #tpu.memory_space<vmem>>
      %dma_start3A_49 = tpu.memref_squeeze %dma_start3A_48 : memref<1x128xi32, #tpu.memory_space<vmem>> -> memref<128xi32, #tpu.memory_space<vmem>>
      %dma_start3A_50 = arith.constant 0 : i32
      %dma_start3A_51 = tpu.memref_slice %arg4[%dma_start3A_50] : memref<139493376xf32, #tpu.memory_space<hbm>> -> memref<139493376xf32, #tpu.memory_space<hbm>>
      tpu.enqueue_indirect_dma source(%dma_start3A_46 : memref<128xf32, #tpu.memory_space<vmem>>) target(%dma_start3A_51 : memref<139493376xf32, #tpu.memory_space<hbm>>) offsets(%dma_start3A_49 : memref<128xi32, #tpu.memory_space<vmem>>) semaphore(%arg9 : memref<!tpu.dma_semaphore, #tpu.memory_space<semaphore_mem>>)
      %dma_wait3A = arith.constant 0 : i32
      %dma_wait3A_52 = tpu.memref_slice %arg7[%add3A_24, %dma_wait3A] : memref<122x128xf32, #tpu.memory_space<vmem>> -> memref<1x128xf32, #tpu.memory_space<vmem>>
      %dma_wait3A_53 = tpu.memref_squeeze %dma_wait3A_52 : memref<1x128xf32, #tpu.memory_space<vmem>> -> memref<128xf32, #tpu.memory_space<vmem>>
      %dma_wait3A_54 = arith.constant 0 : i32
      %dma_wait3A_55 = tpu.memref_slice %arg6[%add3A_28, %dma_wait3A_54] : memref<122x128xi32, #tpu.memory_space<vmem>> -> memref<1x128xi32, #tpu.memory_space<vmem>>
      %dma_wait3A_56 = tpu.memref_squeeze %dma_wait3A_55 : memref<1x128xi32, #tpu.memory_space<vmem>> -> memref<128xi32, #tpu.memory_space<vmem>>
      %dma_wait3A_57 = arith.constant 0 : i32
      %dma_wait3A_58 = tpu.memref_slice %arg4[%dma_wait3A_57] : memref<139493376xf32, #tpu.memory_space<hbm>> -> memref<139493376xf32, #tpu.memory_space<hbm>>
      tpu.wait_indirect_dma semaphore(%arg9 : memref<!tpu.dma_semaphore, #tpu.memory_space<semaphore_mem>>) src(%dma_wait3A_53 : memref<128xf32, #tpu.memory_space<vmem>>) dst(%dma_wait3A_58 : memref<139493376xf32, #tpu.memory_space<hbm>>)
      %dma_wait3A_59 = arith.constant 0 : i32
      %dma_wait3A_60 = tpu.memref_slice %arg7[%add3A_39, %dma_wait3A_59] : memref<122x128xf32, #tpu.memory_space<vmem>> -> memref<1x128xf32, #tpu.memory_space<vmem>>
      %dma_wait3A_61 = tpu.memref_squeeze %dma_wait3A_60 : memref<1x128xf32, #tpu.memory_space<vmem>> -> memref<128xf32, #tpu.memory_space<vmem>>
      %dma_wait3A_62 = arith.constant 0 : i32
      %dma_wait3A_63 = tpu.memref_slice %arg6[%add3A_43, %dma_wait3A_62] : memref<122x128xi32, #tpu.memory_space<vmem>> -> memref<1x128xi32, #tpu.memory_space<vmem>>
      %dma_wait3A_64 = tpu.memref_squeeze %dma_wait3A_63 : memref<1x128xi32, #tpu.memory_space<vmem>> -> memref<128xi32, #tpu.memory_space<vmem>>
      %dma_wait3A_65 = arith.constant 0 : i32
      %dma_wait3A_66 = tpu.memref_slice %arg4[%dma_wait3A_65] : memref<139493376xf32, #tpu.memory_space<hbm>> -> memref<139493376xf32, #tpu.memory_space<hbm>>
      tpu.wait_indirect_dma semaphore(%arg9 : memref<!tpu.dma_semaphore, #tpu.memory_space<semaphore_mem>>) src(%dma_wait3A_61 : memref<128xf32, #tpu.memory_space<vmem>>) dst(%dma_wait3A_66 : memref<139493376xf32, #tpu.memory_space<hbm>>)
    }
    %scan3A_19 = arith.constant 61 : i32
    return
  }
}

module attributes {stable_mosaic.version = 14 : i64} {
  func.func @_stage_a_body(%arg0: i32, %arg1: memref<1x512x704xf32, #tpu.memory_space<vmem>>, %arg2: memref<128x512xf32, #tpu.memory_space<vmem>>, %arg3: memref<128x1xf32, #tpu.memory_space<vmem>>, %arg4: memref<1x59x704xi32, #tpu.memory_space<vmem>>, %arg5: memref<1x59x704xi32, #tpu.memory_space<vmem>>, %arg6: memref<1x59x704xf32, #tpu.memory_space<vmem>>, %arg7: memref<1x704x64xf32, #tpu.memory_space<vmem>>) attributes {dimension_semantics = [#tpu.dimension_semantics<arbitrary>], iteration_bounds = array<i64: 12>, scalar_prefetch = 0 : i64, scratch_operands = 0 : i64, tpu.core_type = #tpu.core_type<tc>, window_params = [{transform_indices = @transform_0, window_bounds = array<i64: 1, 512, 704>}, {pipeline_mode = #tpu.pipeline_mode<synchronous>, transform_indices = @transform_1, window_bounds = array<i64: 128, 512>}, {pipeline_mode = #tpu.pipeline_mode<synchronous>, transform_indices = @transform_2, window_bounds = array<i64: 128, 1>}, {transform_indices = @transform_3, window_bounds = array<i64: 1, 59, 704>}, {transform_indices = @transform_4, window_bounds = array<i64: 1, 59, 704>}, {transform_indices = @transform_5, window_bounds = array<i64: 1, 59, 704>}, {transform_indices = @transform_6, window_bounds = array<i64: 1, 704, 64>}]} {
    %get3A = arith.constant 0 : index
    %get3A_0 = arith.constant 0 : index
    %get3A_1 = vector.load %arg2[%get3A, %get3A_0] : memref<128x512xf32, #tpu.memory_space<vmem>>, vector<128x512xf32>
    %get3A_2 = arith.constant 0 : index
    %get3A_3 = arith.constant 0 : index
    %get3A_4 = arith.constant 0 : index
    %get3A_5 = vector.load %arg1[%get3A_2, %get3A_3, %get3A_4] : memref<1x512x704xf32, #tpu.memory_space<vmem>>, vector<1x512x704xf32>
    %get3A_6 = vector.shape_cast %get3A_5 : vector<1x512x704xf32> to vector<512x704xf32>
    %dot_general3A = arith.constant dense<0.000000e+00> : vector<128x704xf32>
    %dot_general3A_7 = tpu.matmul %get3A_1, %get3A_6, %dot_general3A {dimension_numbers = #tpu.dot_dimension_numbers<[1], [0], [0], [1], [0, 0, 1, 1], [], []>, precision = #tpu.contract_precision<fp32>, transpose_lhs_hint = false} : vector<128x512xf32>, vector<512x704xf32>, vector<128x704xf32> -> vector<128x704xf32>
    %get3A_8 = arith.constant 0 : index
    %get3A_9 = arith.constant 0 : index
    %get3A_10 = vector.load %arg3[%get3A_8, %get3A_9] : memref<128x1xf32, #tpu.memory_space<vmem>>, vector<128x1xf32>
    %add3A = vector.broadcast %get3A_10 : vector<128x1xf32> to vector<128x704xf32>
    %add3A_11 = arith.addf %dot_general3A_7, %add3A : vector<128x704xf32>
    %slice3A = vector.extract_strided_slice %add3A_11 {offsets = [0, 0], sizes = [59, 704], strides = [1, 1]} : vector<128x704xf32> to vector<59x704xf32>
    %reduce_max3A = arith.constant dense<0xFF800000> : vector<704xf32>
    %reduce_max3A_12 = vector.multi_reduction <maximumf>, %slice3A, %reduce_max3A [0] : vector<59x704xf32> to vector<704xf32>
    %broadcast_in_dim3A = vector.shape_cast %reduce_max3A_12 : vector<704xf32> to vector<1x704xf32>
    %sub3A = vector.broadcast %broadcast_in_dim3A : vector<1x704xf32> to vector<59x704xf32>
    %sub3A_13 = arith.subf %slice3A, %sub3A : vector<59x704xf32>
    %exp3A = math.exp %sub3A_13 : vector<59x704xf32>
    %reduce_sum3A = arith.constant dense<0.000000e+00> : vector<704xf32>
    %reduce_sum3A_14 = vector.multi_reduction <add>, %exp3A, %reduce_sum3A [0] : vector<59x704xf32> to vector<704xf32>
    %broadcast_in_dim3A_15 = vector.shape_cast %reduce_sum3A_14 : vector<704xf32> to vector<1x704xf32>
    %div3A = vector.broadcast %broadcast_in_dim3A_15 : vector<1x704xf32> to vector<59x704xf32>
    %div3A_16 = arith.divf %exp3A, %div3A : vector<59x704xf32>
    %slice3A_17 = vector.extract_strided_slice %add3A_11 {offsets = [59, 0], sizes = [64, 704], strides = [1, 1]} : vector<128x704xf32> to vector<64x704xf32>
    %transpose3A = tpu.transpose %slice3A_17, [1, 0] : vector<64x704xf32> -> vector<704x64xf32>
    %swap3A = arith.constant 0 : index
    %swap3A_18 = arith.constant 0 : index
    %swap3A_19 = arith.constant 0 : index
    %swap3A_20 = vector.load %arg7[%swap3A, %swap3A_18, %swap3A_19] : memref<1x704x64xf32, #tpu.memory_space<vmem>>, vector<1x704x64xf32>
    %swap3A_21 = vector.shape_cast %swap3A_20 : vector<1x704x64xf32> to vector<704x64xf32>
    %swap3A_22 = vector.shape_cast %transpose3A : vector<704x64xf32> to vector<1x704x64xf32>
    tpu.vector_store %arg7[%swap3A, %swap3A_18, %swap3A_19], %swap3A_22 {strides = array<i32>} : memref<1x704x64xf32, #tpu.memory_space<vmem>>, vector<1x704x64xf32>,
    %iota3A = tpu.iota {dimensions = array<i32: 1>} : vector<59x704xi32>
    %get3A_23 = arith.constant 0 : index
    %get3A_24 = arith.constant 0 : index
    %get3A_25 = arith.constant 0 : index
    %get3A_26 = vector.load %arg4[%get3A_23, %get3A_24, %get3A_25] : memref<1x59x704xi32, #tpu.memory_space<vmem>>, vector<1x59x704xi32>
    %get3A_27 = vector.shape_cast %get3A_26 : vector<1x59x704xi32> to vector<59x704xi32>
    %ge3A = arith.constant 0 : i32
    %ge3A_28 = vector.broadcast %ge3A : i32 to vector<59x704xi32>
    %ge3A_29 = arith.cmpi sge, %get3A_27, %ge3A_28 : vector<59x704xi32>
    %broadcast_in_dim3A_30 = arith.constant 0.000000e+00 : f32
    %broadcast_in_dim3A_31 = vector.broadcast %broadcast_in_dim3A_30 : f32 to vector<1x704xf32>
    %slice3A_32 = vector.extract_strided_slice %get3A_27 {offsets = [1, 0], sizes = [58, 704], strides = [1, 1]} : vector<59x704xi32> to vector<58x704xi32>
    %slice3A_33 = vector.extract_strided_slice %get3A_27 {offsets = [0, 0], sizes = [58, 704], strides = [1, 1]} : vector<59x704xi32> to vector<58x704xi32>
    %eq3A = arith.cmpi eq, %slice3A_32, %slice3A_33 : vector<58x704xi32>
    %convert_element_type3A = arith.extui %eq3A : vector<58x704xi1> to vector<58x704xi32>
    %convert_element_type3A_34 = arith.sitofp %convert_element_type3A : vector<58x704xi32> to vector<58x704xf32>
    %concatenate3A = tpu.concatenate %broadcast_in_dim3A_31, %convert_element_type3A_34 in 0 : vector<1x704xf32>, vector<58x704xf32> -> vector<59x704xf32>
    %broadcast_in_dim3A_35 = arith.constant 0.000000e+00 : f32
    %broadcast_in_dim3A_36 = vector.broadcast %broadcast_in_dim3A_35 : f32 to vector<1x704xf32>
    %slice3A_37 = vector.extract_strided_slice %div3A_16 {offsets = [0, 0], sizes = [58, 704], strides = [1, 1]} : vector<59x704xf32> to vector<58x704xf32>
    %concatenate3A_38 = tpu.concatenate %broadcast_in_dim3A_36, %slice3A_37 in 0 : vector<1x704xf32>, vector<58x704xf32> -> vector<59x704xf32>
    %broadcast_in_dim3A_39 = arith.constant 0.000000e+00 : f32
    %broadcast_in_dim3A_40 = vector.broadcast %broadcast_in_dim3A_39 : f32 to vector<1x704xf32>
    %slice3A_41 = vector.extract_strided_slice %concatenate3A {offsets = [0, 0], sizes = [58, 704], strides = [1, 1]} : vector<59x704xf32> to vector<58x704xf32>
    %concatenate3A_42 = tpu.concatenate %broadcast_in_dim3A_40, %slice3A_41 in 0 : vector<1x704xf32>, vector<58x704xf32> -> vector<59x704xf32>
    %mul3A = arith.mulf %concatenate3A, %concatenate3A_38 : vector<59x704xf32>
    %add3A_43 = arith.addf %div3A_16, %mul3A : vector<59x704xf32>
    %mul3A_44 = arith.mulf %concatenate3A, %concatenate3A_42 : vector<59x704xf32>
    %broadcast_in_dim3A_45 = arith.constant 0.000000e+00 : f32
    %broadcast_in_dim3A_46 = vector.broadcast %broadcast_in_dim3A_45 : f32 to vector<2x704xf32>
    %slice3A_47 = vector.extract_strided_slice %add3A_43 {offsets = [0, 0], sizes = [57, 704], strides = [1, 1]} : vector<59x704xf32> to vector<57x704xf32>
    %concatenate3A_48 = tpu.concatenate %broadcast_in_dim3A_46, %slice3A_47 in 0 : vector<2x704xf32>, vector<57x704xf32> -> vector<59x704xf32>
    %broadcast_in_dim3A_49 = arith.constant 0.000000e+00 : f32
    %broadcast_in_dim3A_50 = vector.broadcast %broadcast_in_dim3A_49 : f32 to vector<2x704xf32>
    %slice3A_51 = vector.extract_strided_slice %mul3A_44 {offsets = [0, 0], sizes = [57, 704], strides = [1, 1]} : vector<59x704xf32> to vector<57x704xf32>
    %concatenate3A_52 = tpu.concatenate %broadcast_in_dim3A_50, %slice3A_51 in 0 : vector<2x704xf32>, vector<57x704xf32> -> vector<59x704xf32>
    %mul3A_53 = arith.mulf %mul3A_44, %concatenate3A_48 : vector<59x704xf32>
    %add3A_54 = arith.addf %add3A_43, %mul3A_53 : vector<59x704xf32>
    %mul3A_55 = arith.mulf %mul3A_44, %concatenate3A_52 : vector<59x704xf32>
    %broadcast_in_dim3A_56 = arith.constant 0.000000e+00 : f32
    %broadcast_in_dim3A_57 = vector.broadcast %broadcast_in_dim3A_56 : f32 to vector<4x704xf32>
    %slice3A_58 = vector.extract_strided_slice %add3A_54 {offsets = [0, 0], sizes = [55, 704], strides = [1, 1]} : vector<59x704xf32> to vector<55x704xf32>
    %concatenate3A_59 = tpu.concatenate %broadcast_in_dim3A_57, %slice3A_58 in 0 : vector<4x704xf32>, vector<55x704xf32> -> vector<59x704xf32>
    %broadcast_in_dim3A_60 = arith.constant 0.000000e+00 : f32
    %broadcast_in_dim3A_61 = vector.broadcast %broadcast_in_dim3A_60 : f32 to vector<4x704xf32>
    %slice3A_62 = vector.extract_strided_slice %mul3A_55 {offsets = [0, 0], sizes = [55, 704], strides = [1, 1]} : vector<59x704xf32> to vector<55x704xf32>
    %concatenate3A_63 = tpu.concatenate %broadcast_in_dim3A_61, %slice3A_62 in 0 : vector<4x704xf32>, vector<55x704xf32> -> vector<59x704xf32>
    %mul3A_64 = arith.mulf %mul3A_55, %concatenate3A_59 : vector<59x704xf32>
    %add3A_65 = arith.addf %add3A_54, %mul3A_64 : vector<59x704xf32>
    %mul3A_66 = arith.mulf %mul3A_55, %concatenate3A_63 : vector<59x704xf32>
    %broadcast_in_dim3A_67 = arith.constant 0.000000e+00 : f32
    %broadcast_in_dim3A_68 = vector.broadcast %broadcast_in_dim3A_67 : f32 to vector<8x704xf32>
    %slice3A_69 = vector.extract_strided_slice %add3A_65 {offsets = [0, 0], sizes = [51, 704], strides = [1, 1]} : vector<59x704xf32> to vector<51x704xf32>
    %concatenate3A_70 = tpu.concatenate %broadcast_in_dim3A_68, %slice3A_69 in 0 : vector<8x704xf32>, vector<51x704xf32> -> vector<59x704xf32>
    %broadcast_in_dim3A_71 = arith.constant 0.000000e+00 : f32
    %broadcast_in_dim3A_72 = vector.broadcast %broadcast_in_dim3A_71 : f32 to vector<8x704xf32>
    %slice3A_73 = vector.extract_strided_slice %mul3A_66 {offsets = [0, 0], sizes = [51, 704], strides = [1, 1]} : vector<59x704xf32> to vector<51x704xf32>
    %concatenate3A_74 = tpu.concatenate %broadcast_in_dim3A_72, %slice3A_73 in 0 : vector<8x704xf32>, vector<51x704xf32> -> vector<59x704xf32>
    %mul3A_75 = arith.mulf %mul3A_66, %concatenate3A_70 : vector<59x704xf32>
    %add3A_76 = arith.addf %add3A_65, %mul3A_75 : vector<59x704xf32>
    %mul3A_77 = arith.mulf %mul3A_66, %concatenate3A_74 : vector<59x704xf32>
    %broadcast_in_dim3A_78 = arith.constant 0.000000e+00 : f32
    %broadcast_in_dim3A_79 = vector.broadcast %broadcast_in_dim3A_78 : f32 to vector<16x704xf32>
    %slice3A_80 = vector.extract_strided_slice %add3A_76 {offsets = [0, 0], sizes = [43, 704], strides = [1, 1]} : vector<59x704xf32> to vector<43x704xf32>
    %concatenate3A_81 = tpu.concatenate %broadcast_in_dim3A_79, %slice3A_80 in 0 : vector<16x704xf32>, vector<43x704xf32> -> vector<59x704xf32>
    %broadcast_in_dim3A_82 = arith.constant 0.000000e+00 : f32
    %broadcast_in_dim3A_83 = vector.broadcast %broadcast_in_dim3A_82 : f32 to vector<16x704xf32>
    %slice3A_84 = vector.extract_strided_slice %mul3A_77 {offsets = [0, 0], sizes = [43, 704], strides = [1, 1]} : vector<59x704xf32> to vector<43x704xf32>
    %concatenate3A_85 = tpu.concatenate %broadcast_in_dim3A_83, %slice3A_84 in 0 : vector<16x704xf32>, vector<43x704xf32> -> vector<59x704xf32>
    %mul3A_86 = arith.mulf %mul3A_77, %concatenate3A_81 : vector<59x704xf32>
    %add3A_87 = arith.addf %add3A_76, %mul3A_86 : vector<59x704xf32>
    %mul3A_88 = arith.mulf %mul3A_77, %concatenate3A_85 : vector<59x704xf32>
    %broadcast_in_dim3A_89 = arith.constant 0.000000e+00 : f32
    %broadcast_in_dim3A_90 = vector.broadcast %broadcast_in_dim3A_89 : f32 to vector<32x704xf32>
    %slice3A_91 = vector.extract_strided_slice %add3A_87 {offsets = [0, 0], sizes = [27, 704], strides = [1, 1]} : vector<59x704xf32> to vector<27x704xf32>
    %concatenate3A_92 = tpu.concatenate %broadcast_in_dim3A_90, %slice3A_91 in 0 : vector<32x704xf32>, vector<27x704xf32> -> vector<59x704xf32>
    %mul3A_93 = arith.mulf %mul3A_88, %concatenate3A_92 : vector<59x704xf32>
    %add3A_94 = arith.addf %add3A_87, %mul3A_93 : vector<59x704xf32>
    %slice3A_95 = vector.extract_strided_slice %get3A_27 {offsets = [0, 0], sizes = [58, 704], strides = [1, 1]} : vector<59x704xi32> to vector<58x704xi32>
    %slice3A_96 = vector.extract_strided_slice %get3A_27 {offsets = [1, 0], sizes = [58, 704], strides = [1, 1]} : vector<59x704xi32> to vector<58x704xi32>
    %ne3A = arith.cmpi ne, %slice3A_95, %slice3A_96 : vector<58x704xi32>
    %convert_element_type3A_97 = arith.extui %ne3A : vector<58x704xi1> to vector<58x704xi32>
    %convert_element_type3A_98 = arith.sitofp %convert_element_type3A_97 : vector<58x704xi32> to vector<58x704xf32>
    %broadcast_in_dim3A_99 = arith.constant 1.000000e+00 : f32
    %broadcast_in_dim3A_100 = vector.broadcast %broadcast_in_dim3A_99 : f32 to vector<1x704xf32>
    %concatenate3A_101 = tpu.concatenate %convert_element_type3A_98, %broadcast_in_dim3A_100 in 0 : vector<58x704xf32>, vector<1x704xf32> -> vector<59x704xf32>
    %gt3A = arith.constant 0.000000e+00 : f32
    %gt3A_102 = vector.broadcast %gt3A : f32 to vector<59x704xf32>
    %gt3A_103 = arith.cmpf ogt, %concatenate3A_101, %gt3A_102 : vector<59x704xf32>
    %and3A = arith.andi %gt3A_103, %ge3A_29 : vector<59x704xi1>
    %jit3A = arith.constant 6 : i32
    %div3A_104 = arith.divsi %arg0, %jit3A : i32
    %sign3A = arith.constant 0 : i32
    %sign3A_105 = arith.cmpi sgt, %arg0, %sign3A : i32
    %sign3A_106 = arith.extui %sign3A_105 : i1 to i32
    %sign3A_107 = arith.constant 0 : i32
    %sign3A_108 = arith.cmpi slt, %arg0, %sign3A_107 : i32
    %sign3A_109 = arith.extui %sign3A_108 : i1 to i32
    %sign3A_110 = arith.subi %sign3A_106, %sign3A_109 : i32
    %sign3A_111 = arith.constant 0 : i32
    %sign3A_112 = arith.cmpi sgt, %jit3A, %sign3A_111 : i32
    %sign3A_113 = arith.extui %sign3A_112 : i1 to i32
    %sign3A_114 = arith.constant 0 : i32
    %sign3A_115 = arith.cmpi slt, %jit3A, %sign3A_114 : i32
    %sign3A_116 = arith.extui %sign3A_115 : i1 to i32
    %sign3A_117 = arith.subi %sign3A_113, %sign3A_116 : i32
    %ne3A_118 = arith.cmpi ne, %sign3A_110, %sign3A_117 : i32
    %rem3A = arith.remsi %arg0, %jit3A : i32
    %ne3A_119 = arith.constant 0 : i32
    %ne3A_120 = arith.cmpi ne, %rem3A, %ne3A_119 : i32
    %and3A_121 = arith.andi %ne3A_118, %ne3A_120 : i1
    %sub3A_122 = arith.constant 1 : i32
    %sub3A_123 = arith.subi %div3A_104, %sub3A_122 : i32
    %select_n3A = arith.select %and3A_121, %sub3A_123, %div3A_104 : i32
    %jit3A_124 = arith.constant 6 : i32
    %eq3A_125 = arith.constant 0 : i32
    %eq3A_126 = arith.cmpi eq, %jit3A_124, %eq3A_125 : i32
    %jit3A_127 = arith.constant 1 : i32
    %select_n3A_128 = arith.select %eq3A_126, %jit3A_127, %jit3A_124 : i32
    %rem3A_129 = arith.remsi %arg0, %select_n3A_128 : i32
    %ne3A_130 = arith.constant 0 : i32
    %ne3A_131 = arith.cmpi ne, %rem3A_129, %ne3A_130 : i32
    %lt3A = arith.constant 0 : i32
    %lt3A_132 = arith.cmpi slt, %rem3A_129, %lt3A : i32
    %lt3A_133 = arith.constant 0 : i32
    %lt3A_134 = arith.cmpi slt, %select_n3A_128, %lt3A_133 : i32
    %ne3A_135 = arith.xori %lt3A_132, %lt3A_134 : i1
    %and3A_136 = arith.andi %ne3A_135, %ne3A_131 : i1
    %add3A_137 = arith.addi %rem3A_129, %select_n3A_128 : i32
    %select_n3A_138 = arith.select %and3A_136, %add3A_137, %rem3A_129 : i32
    %mul3A_139 = arith.constant 704 : i32
    %mul3A_140 = arith.muli %select_n3A_138, %mul3A_139 : i32
    %add3A_141 = vector.broadcast %mul3A_140 : i32 to vector<59x704xi32>
    %add3A_142 = arith.addi %add3A_141, %iota3A : vector<59x704xi32>
    %mul3A_143 = arith.constant 16384 : i32
    %mul3A_144 = arith.muli %select_n3A, %mul3A_143 : i32
    %add3A_145 = vector.broadcast %mul3A_144 : i32 to vector<59x704xi32>
    %add3A_146 = arith.addi %add3A_145, %get3A_27 : vector<59x704xi32>
    %iota3A_147 = tpu.iota {dimensions = array<i32: 0>} : vector<59x704xi32>
    %mul3A_148 = arith.constant 59 : i32
    %mul3A_149 = arith.muli %arg0, %mul3A_148 : i32
    %add3A_150 = vector.broadcast %mul3A_149 : i32 to vector<59x704xi32>
    %add3A_151 = arith.addi %add3A_150, %iota3A_147 : vector<59x704xi32>
    %mul3A_152 = arith.constant 704 : i32
    %mul3A_153 = vector.broadcast %mul3A_152 : i32 to vector<59x704xi32>
    %mul3A_154 = arith.muli %add3A_151, %mul3A_153 : vector<59x704xi32>
    %add3A_155 = arith.addi %mul3A_154, %iota3A : vector<59x704xi32>
    %jit3A_156 = arith.constant 0.000000e+00 : f32
    %broadcast_in_dim3A_157 = vector.broadcast %jit3A_156 : f32 to vector<59x704xf32>
    %select_n3A_158 = arith.select %and3A, %add3A_94, %broadcast_in_dim3A_157 : vector<59x704xi1>, vector<59x704xf32>
    %swap3A_159 = arith.constant 0 : index
    %swap3A_160 = arith.constant 0 : index
    %swap3A_161 = arith.constant 0 : index
    %swap3A_162 = vector.load %arg6[%swap3A_159, %swap3A_160, %swap3A_161] : memref<1x59x704xf32, #tpu.memory_space<vmem>>, vector<1x59x704xf32>
    %swap3A_163 = vector.shape_cast %swap3A_162 : vector<1x59x704xf32> to vector<59x704xf32>
    %swap3A_164 = vector.shape_cast %select_n3A_158 : vector<59x704xf32> to vector<1x59x704xf32>
    tpu.vector_store %arg6[%swap3A_159, %swap3A_160, %swap3A_161], %swap3A_164 {strides = array<i32>} : memref<1x59x704xf32, #tpu.memory_space<vmem>>, vector<1x59x704xf32>,
    %mul3A_165 = arith.constant 4224 : i32
    %mul3A_166 = vector.broadcast %mul3A_165 : i32 to vector<59x704xi32>
    %mul3A_167 = arith.muli %add3A_146, %mul3A_166 : vector<59x704xi32>
    %add3A_168 = arith.addi %mul3A_167, %add3A_142 : vector<59x704xi32>
    %add3A_169 = arith.constant 138412032 : i32
    %add3A_170 = vector.broadcast %add3A_169 : i32 to vector<59x704xi32>
    %add3A_171 = arith.addi %add3A_170, %add3A_155 : vector<59x704xi32>
    %select_n3A_172 = arith.select %and3A, %add3A_168, %add3A_171 : vector<59x704xi1>, vector<59x704xi32>
    %swap3A_173 = arith.constant 0 : index
    %swap3A_174 = arith.constant 0 : index
    %swap3A_175 = arith.constant 0 : index
    %swap3A_176 = vector.load %arg5[%swap3A_173, %swap3A_174, %swap3A_175] : memref<1x59x704xi32, #tpu.memory_space<vmem>>, vector<1x59x704xi32>
    %swap3A_177 = vector.shape_cast %swap3A_176 : vector<1x59x704xi32> to vector<59x704xi32>
    %swap3A_178 = vector.shape_cast %select_n3A_172 : vector<59x704xi32> to vector<1x59x704xi32>
    tpu.vector_store %arg5[%swap3A_173, %swap3A_174, %swap3A_175], %swap3A_178 {strides = array<i32>} : memref<1x59x704xi32, #tpu.memory_space<vmem>>, vector<1x59x704xi32>,
    return
  }
  func.func @transform_0(%arg0: i32) -> (i32, i32, i32) {
    %c0_i32 = arith.constant 0 : i32
    %c0_i32_0 = arith.constant 0 : i32
    %c0_i32_1 = arith.constant 0 : i32
    return %arg0, %c0_i32, %c0_i32_0 : i32, i32, i32
  }
  func.func @transform_1(%arg0: i32) -> (i32, i32) {
    %c0_i32 = arith.constant 0 : i32
    %c0_i32_0 = arith.constant 0 : i32
    %c0_i32_1 = arith.constant 0 : i32
    return %c0_i32, %c0_i32_0 : i32, i32
  }
  func.func @transform_2(%arg0: i32) -> (i32, i32) {
    %c0_i32 = arith.constant 0 : i32
    %c0_i32_0 = arith.constant 0 : i32
    %c0_i32_1 = arith.constant 0 : i32
    return %c0_i32, %c0_i32_0 : i32, i32
  }
  func.func @transform_3(%arg0: i32) -> (i32, i32, i32) {
    %c0_i32 = arith.constant 0 : i32
    %c0_i32_0 = arith.constant 0 : i32
    %c0_i32_1 = arith.constant 0 : i32
    return %arg0, %c0_i32, %c0_i32_0 : i32, i32, i32
  }
  func.func @transform_4(%arg0: i32) -> (i32, i32, i32) {
    %c0_i32 = arith.constant 0 : i32
    %c0_i32_0 = arith.constant 0 : i32
    %c0_i32_1 = arith.constant 0 : i32
    return %arg0, %c0_i32, %c0_i32_0 : i32, i32, i32
  }
  func.func @transform_5(%arg0: i32) -> (i32, i32, i32) {
    %c0_i32 = arith.constant 0 : i32
    %c0_i32_0 = arith.constant 0 : i32
    %c0_i32_1 = arith.constant 0 : i32
    return %arg0, %c0_i32, %c0_i32_0 : i32, i32, i32
  }
  func.func @transform_6(%arg0: i32) -> (i32, i32, i32) {
    %c0_i32 = arith.constant 0 : i32
    %c0_i32_0 = arith.constant 0 : i32
    %c0_i32_1 = arith.constant 0 : i32
    return %arg0, %c0_i32, %c0_i32_0 : i32, i32, i32
  }
}

module attributes {stable_mosaic.version = 14 : i64} {
  func.func @_stage_c_body(%arg0: i32, %arg1: i32, %arg2: memref<256x4224xf32, #tpu.memory_space<vmem>>, %arg3: memref<1x4224x64xf32, #tpu.memory_space<vmem>>, %arg4: memref<1x256x64xf32, #tpu.memory_space<vmem>>) attributes {dimension_semantics = [#tpu.dimension_semantics<arbitrary>, #tpu.dimension_semantics<arbitrary>], iteration_bounds = array<i64: 2, 64>, scalar_prefetch = 0 : i64, scratch_operands = 0 : i64, tpu.core_type = #tpu.core_type<tc>, window_params = [{transform_indices = @transform_0, window_bounds = array<i64: 256, 4224>}, {transform_indices = @transform_1, window_bounds = array<i64: 1, 4224, 64>}, {transform_indices = @transform_2, window_bounds = array<i64: 1, 256, 64>}]} {
    %get3A = arith.constant 0 : index
    %get3A_0 = arith.constant 0 : index
    %get3A_1 = vector.load %arg2[%get3A, %get3A_0] : memref<256x4224xf32, #tpu.memory_space<vmem>>, vector<256x4224xf32>
    %get3A_2 = arith.constant 0 : index
    %get3A_3 = arith.constant 0 : index
    %get3A_4 = arith.constant 0 : index
    %get3A_5 = vector.load %arg3[%get3A_2, %get3A_3, %get3A_4] : memref<1x4224x64xf32, #tpu.memory_space<vmem>>, vector<1x4224x64xf32>
    %get3A_6 = vector.shape_cast %get3A_5 : vector<1x4224x64xf32> to vector<4224x64xf32>
    %dot_general3A = arith.constant dense<0.000000e+00> : vector<256x64xf32>
    %dot_general3A_7 = tpu.matmul %get3A_1, %get3A_6, %dot_general3A {dimension_numbers = #tpu.dot_dimension_numbers<[1], [0], [0], [1], [0, 0, 1, 1], [], []>, transpose_lhs_hint = false} : vector<256x4224xf32>, vector<4224x64xf32>, vector<256x64xf32> -> vector<256x64xf32>
    %swap3A = arith.constant 0 : index
    %swap3A_8 = arith.constant 0 : index
    %swap3A_9 = arith.constant 0 : index
    %swap3A_10 = vector.load %arg4[%swap3A, %swap3A_8, %swap3A_9] : memref<1x256x64xf32, #tpu.memory_space<vmem>>, vector<1x256x64xf32>
    %swap3A_11 = vector.shape_cast %swap3A_10 : vector<1x256x64xf32> to vector<256x64xf32>
    %swap3A_12 = vector.shape_cast %dot_general3A_7 : vector<256x64xf32> to vector<1x256x64xf32>
    tpu.vector_store %arg4[%swap3A, %swap3A_8, %swap3A_9], %swap3A_12 {strides = array<i32>} : memref<1x256x64xf32, #tpu.memory_space<vmem>>, vector<1x256x64xf32>,
    return
  }
  func.func @transform_0(%arg0: i32, %arg1: i32) -> (i32, i32) {
    %mul3A = arith.constant 64 : i32
    %mul3A_0 = arith.muli %arg0, %mul3A : i32
    %add3A = arith.addi %mul3A_0, %arg1 : i32
    %c0_i32 = arith.constant 0 : i32
    %c0_i32_1 = arith.constant 0 : i32
    return %add3A, %c0_i32 : i32, i32
  }
  func.func @transform_1(%arg0: i32, %arg1: i32) -> (i32, i32, i32) {
    %c0_i32 = arith.constant 0 : i32
    %c0_i32_0 = arith.constant 0 : i32
    %c0_i32_1 = arith.constant 0 : i32
    return %arg0, %c0_i32, %c0_i32_0 : i32, i32, i32
  }
  func.func @transform_2(%arg0: i32, %arg1: i32) -> (i32, i32, i32) {
    %c0_i32 = arith.constant 0 : i32
    %c0_i32_0 = arith.constant 0 : i32
    return %arg0, %arg1, %c0_i32 : i32, i32, i32
  }
}

</mosaic_0001>

<sc_bundles>
// kernel: kernel.5.cloned.1.call-start
scs
__scs_entry_jumppad:
0x0: {  	(pc) =	sbr.rel $0x88, $3  }
0x1: {  	(tag) =	ssettag $0x0;
	lr =	simm.s32 $0x1  }
0x2: {  	[smem:$0x3F99] =	sst lr;
	_ =	strace $0xD0000000  }
0x3: {  	_ = 	snop  }
0x4: {  	_ = 	snop  }
0x5: {  	_ = 	snop  }
0x6: {  	_ = 	snop  }
0x7: {  	_ = 	snop  }
__scs_overlays_trampoline_lowered:
0x8: {  	[smem:$0x3FA8] =	sst s0  }
0x9: {  	[smem:$0x3FA9] =	sst s1  }
0xa: {  	[smem:$0x3FAA] =	sst s2  }
0xb: {  	[smem:$0x3FAB] =	sst s3  }
0xc: {  	[smem:$0x3FAC] =	sst s4  }
0xd: {  	[smem:$0x3FAD] =	sst s5  }
0xe: {  	[smem:$0x3FAE] =	sst s6  }
0xf: {  	[smem:$0x3FAF] =	sst s7  }
0x10: {  	[smem:$0x3FB0] =	sst s8  }
0x11: {  	[smem:$0x3FB1] =	sst s9;
	s0 =	simm.s32 @!p0 $0x0  }
0x12: {  	s1 =	sld [smem:$0x3F97];
	s0 =	simm.s32 @p0 $0x1  }
0x13: {  	[smem:$0x3FB2] =	sst s0;
	s0 =	simm.s32 @!p1 $0x0  }
0x14: {  	s2 =	sld [smem:$0x3F96];
	s0 =	simm.s32 @p1 $0x1  }
0x15: {  	[smem:$0x3FB3] =	sst s0;
	s0 =	simm.s32 @!p2 $0x0  }
0x16: {  	s3 =	sld [smem:$0x3FDB];
	s0 =	simm.s32 @p2 $0x1  }
0x17: {  	s4 =	simm.s32 $0x1BF5;
	[smem:$0x3FB5] =	sst s0  }
0x18: {  	s0 =	sld [smem:$0x3F98];
	_ =	swait.ge [sflag:s4], $0x0  }
0x19: {  	s7 =	sld [smem:$0x3F99]  }
0x1a: {  	s8 =	sadd.s32 $0xFFFFE003, lr  }
0x1b: {  	s9 =	sadd.s32 $0xFFFFFEF7, lr;
	s5 =	simm.s32 $0xFFFFFFFF;
	p2 =	slt.u32 s8, $0xFFFFF086  }
0x1c: {  	p1 =	slt.u32 s9, $0xF7A;
	s5 =	simm.s32 @!p2 $0x0  }
0x1d: {  	s5 =	simm.s32 @p1 $0x1;
	p0 =	seq.s32 s7, s2  }
0x1e: {  	s7 =	smul.u32 @!p0 $0xF7A, s2;
	p2 =	seq.s32 @!p0 s5, $0x0  }
0x1f: {  	s9 =	smul.u32 $0xF7A, s1;
	s8 =	simm.s32 @!p0 $0x1BF5;
	p2 =	por !p2, p0  }
0x20: {  	[sflag:s8] =	ssyncset.s32 @!p0 $0xFFFFF086;
	s6 =	sadd.s32 @!p0 s3, s7;
	s7 =	simm.s32 @!p0 $0x108  }
0x21: {  	s3 =	sadd.s32 s3, s9;
	s6 =	sadd.s32 @!p0 $0x88, s6;
	s7 =	simm.s32 @p2 $0x1082  }
0x22: {  	[simem:s7], [sflag:s8] =	dma.local @!p0 [hbm:s6], $0xF7A  }
0x23: {  	s9 =	sor.u32 $0xD0000000, s2;
	s6 =	simm.s32 $0x108;
	_ =	swait.ge @!p0 [sflag:s8], $0x0  }
0x24: {  	s3 =	sadd.s32 $0x88, s3;
	s6 =	simm.s32 @!p1 $0x1082;
	[sflag:s4] =	ssyncset.s32 $0xFFFFF086  }
0x25: {  	[simem:s6], [sflag:s4] =	dma.local [hbm:s3], $0xF7A  }
0x26: {  	[smem:$0x3F99] =	sst s1;
	(tag) =	ssettag s2;
	_ =	strace s9  }
0x27: {  	s1 =	sld [smem:$0x3FA9]  }
0x28: {  	s2 =	sld [smem:$0x3FAA]  }
0x29: {  	s4 =	sld [smem:$0x3FAC]  }
0x2a: {  	p0 =	seq.s32 s5, $0x0;
	s5 =	sld [smem:$0x3FAD]  }
0x2b: {  	s6 =	sld [smem:$0x3FAE]  }
0x2c: {  	s7 =	sld [smem:$0x3FAF]  }
0x2d: {  	s3 =	simm.s32 $0x108;
	s8 =	sld [smem:$0x3FB0]  }
0x2e: {  	s3 =	simm.s32 @!p0 $0x1082;
	s9 =	sld [smem:$0x3FB1]  }
0x2f: {  	lr =	sadd.s32 s0, s3;
	s0 =	sld [smem:$0x3FA8]  }
0x30: {  	s3 =	sld [smem:$0x3FAB]  }
0x31: {  	[smem:$0x3FB4] =	sst s10  }
0x32: {  	s10 =	sld [smem:$0x3FB2];
	_ =	sdelay $0x3  }
0x33: {  	p0 =	seq.s32 s10, $0x1;
	s10 =	sld [smem:$0x3FB4];
	_ =	sdelay $0x3  }
0x34: {  	[smem:$0x3FB4] =	sst s10  }
0x35: {  	s10 =	sld [smem:$0x3FB3];
	_ =	sdelay $0x3  }
0x36: {  	p1 =	seq.s32 s10, $0x1;
	s10 =	sld [smem:$0x3FB4];
	_ =	sdelay $0x3  }
0x37: {  	[smem:$0x3FB4] =	sst s10  }
0x38: {  	s10 =	sld [smem:$0x3FB5]  }
0x39: {  	_ = 	snop;
	(pc) =	sbr.ind lr, $3  }
0x3a: {  	_ = 	snop  }
0x3b: {  	_ = 	snop  }
0x3c: {  	p2 =	seq.s32 s10, $0x1;
	s10 =	sld [smem:$0x3FB4]  }
0x3d: {  	_ =	shalt  }
0x3e: {  	_ =	shalt  }
0x3f: {  	_ =	shalt  }
0x40: {  	_ =	shalt  }
0x41: {  	_ =	shalt  }
0x42: {  	_ =	shalt  }
0x43: {  	_ =	shalt  }
0x44: {  	_ =	shalt  }
0x45: {  	_ =	shalt  }
0x46: {  	_ =	shalt  }
0x47: {  	_ =	shalt  }
0x48: {  	_ =	shalt  }
0x49: {  	_ =	shalt  }
0x4a: {  	_ =	shalt  }
0x4b: {  	_ =	shalt  }
0x4c: {  	_ =	shalt  }
0x4d: {  	_ =	shalt  }
0x4e: {  	_ =	shalt  }
0x4f: {  	_ =	shalt  }
0x50: {  	_ =	shalt  }
0x51: {  	_ =	shalt  }
0x52: {  	_ =	shalt  }
0x53: {  	_ =	shalt  }
0x54: {  	_ =	shalt  }
0x55: {  	_ =	shalt  }
0x56: {  	_ =	shalt  }
0x57: {  	_ =	shalt  }
0x58: {  	_ =	shalt  }
0x59: {  	_ =	shalt  }
0x5a: {  	_ =	shalt  }
0x5b: {  	_ =	shalt  }
0x5c: {  	_ =	shalt  }
0x5d: {  	_ =	shalt  }
0x5e: {  	_ =	shalt  }
0x5f: {  	_ =	shalt  }
0x60: {  	_ =	shalt  }
0x61: {  	_ =	shalt  }
0x62: {  	_ =	shalt  }
0x63: {  	_ =	shalt  }
0x64: {  	_ =	shalt  }
0x65: {  	_ =	shalt  }
0x66: {  	_ =	shalt  }
0x67: {  	_ =	shalt  }
0x68: {  	_ =	shalt  }
0x69: {  	_ =	shalt  }
0x6a: {  	_ =	shalt  }
0x6b: {  	_ =	shalt  }
0x6c: {  	_ =	shalt  }
0x6d: {  	_ =	shalt  }
0x6e: {  	_ =	shalt  }
0x6f: {  	_ =	shalt  }
0x70: {  	_ =	shalt  }
0x71: {  	_ =	shalt  }
0x72: {  	_ =	shalt  }
0x73: {  	_ =	shalt  }
0x74: {  	_ =	shalt  }
0x75: {  	_ =	shalt  }
0x76: {  	_ =	shalt  }
0x77: {  	_ =	shalt  }
0x78: {  	_ =	shalt  }
0x79: {  	_ =	shalt  }
0x7a: {  	_ =	shalt  }
0x7b: {  	_ =	shalt  }
0x7c: {  	_ =	shalt  }
0x7d: {  	_ =	shalt  }
0x7e: {  	_ =	shalt  }
0x7f: {  	_ =	shalt  }
0x80: {  	_ =	shalt  }
0x81: {  	_ =	shalt  }
0x82: {  	_ =	shalt  }
0x83: {  	_ =	shalt  }
0x84: {  	_ =	shalt  }
0x85: {  	_ =	shalt  }
0x86: {  	_ =	shalt  }
0x87: {  	_ =	shalt  }
.Lfunc_end0:
.L_simem_size_0:
called_computation_lowered:
.L_overlay_start_0:
0x88: {  	s2 =	sld [smem:$0x3FD9]  }
0x89: {  	s3 =	sld [smem:$0x3FFE];
	_ =	sdelay $0x1  }
0x8a: {  	s1 =	srdreg.scid  }
0x8b: {  	s0 =	sand.u32 $0x1, s1  }
0x8c: {  	s16 =	sshll.u32 s0, $0xA;
	s2 =	sadd.s32 s3, s2  }
0x8d: {  	s2 =	sadd.s32 s2, s16  }
0x8e: {  	[smem:$0x3FC0] =	sst s2  }
0x8f: {  	_ = 	snop  }
0x90: {  	(tm) =	ssettm $0x1  }
0x91: {  	s17 =	sld [smem:$0x3FFB];
	_ =	sdelay $0x3  }
0x92: {  	_ =	strace s17  }
0x93: {  	s2 =	sld [smem:$0x3FFC];
	_ =	sdelay $0x3  }
0x94: {  	_ =	strace s2  }
0x95: {  	s2 =	sld [smem:$0x3FFD];
	_ =	sdelay $0x3  }
0x96: {  	_ =	strace s2  }
0x97: {  	_ =	strace $0x8FFFFFFF  }
0x98: {  	s18 =	sld [smem:$0x3FDB];
	_ =	sdelay $0x1  }
0x99: {  	s19 =	simm.s32 $_scs_section_size  }
0x9a: {  	s4 =	simm.s32 $_size__tile_overlayer_lowered;
	s5 =	simm.s32 $_tile_overlayer_lowered  }
0x9b: {  	s22 =	simm.s32 $0x1BFF;
	s21 =	sshll.u32 s5, $0x1;
	s2 =	sadd.s32 s19, s18  }
0x9c: {  	s6 =	simm.s32 $0x0;
	s20 =	sshll.u32 s4, $0x1;
	s4 =	sadd.s32 s21, s2  }
0x9d: {  	[timem:s6], [sflag:s22] =	dma.local [hbm:s4], s20  }
0x9e: {  	_ =	swait.ge [sflag:s22], s20  }
0x9f: {  	s3 =	ssub.s32 $0x0, s20;
	[sflag:s22] =	ssyncset.done $0x0  }
0xa0: {  	[sflag:s22] =	ssyncadd.s32 s3;
	_ =	sdelay $0x1  }
0xa1: {  	s23 =	simm.s32 $0x1B8B  }
0xa2: {  	_ =	swait.ge [sflag:s23], $0x1  }
0xa3: {  	[sflag:s23] =	ssyncset.done $0x0  }
0xa4: {  	s25 =	simm.s32 $0x1B8E;
	s24 =	sld [smem:$0x3FFE];
	[sflag:s23] =	ssyncadd.s32 $0xFFFFFFFF  }
0xa5: {  	s26 =	simm.s32 $execute0_lowered;
	[smem:$0x3FD2] =	sst s25  }
0xa6: {  	s4 =	sshll.u32 s26, $0x1;
	_ =	strace $0x80000046;
	[dreg:$0x1] =	wrdreg $0xFFFFFFFF  }
0xa7: {  	s28 =	simm.s32 $_size_execute0_lowered;
	s2 =	sadd.s32 s2, s4;
	[dreg:$0x0] =	wrdreg $0x0  }
0xa8: {  	s4 =	sshll.u32 s28, $0x1;
	[dreg:$0x2] =	wrdreg s2  }
0xa9: {  	[dreg:$0x3] =	wrdreg s4  }
0xaa: {  	[dreg:$0x4] =	wrdreg $0xC0  }
0xab: {  	_ =	task [dreg:s6], $0x5FFFF  }
0xac: {  	[dreg:$0x1] =	wrdreg $0xFFFFFFFF  }
0xad: {  	[dreg:$0x0] =	wrdreg $0x60  }
0xae: {  	[dreg:$0x2] =	wrdreg s24  }
0xaf: {  	[dreg:$0x3] =	wrdreg $0x9  }
0xb0: {  	_ =	task.clear_ibuf [dreg:s6], $0x4FFFF;
	_ =	strace $0x90000046  }
0xb1: {  	s29 =	simm.s32 $0x9;
	_ =	strace $0x80000048  }
0xb2: {  	_ =	swait.ge [sflag:s29], $0x1  }
0xb3: {  	[sflag:s29] =	ssyncadd.s32 $0xFFFFFFFF  }
0xb4: {  	_ =	strace $0x90000048  }
0xb5: {  	_ =	sfence  }
0xb6: {  	s30 =	sld [smem:$0x0];
	_ =	sdelay $0x2  }
0xb7: {  	s31 =	sshll.u32 s1, $0xD;
	s1 =	sshrl.u32 s1, $0x2  }
0xb8: {  	s3 =	sand.u32 $0x4000, s31;
	s1 =	sadd.s32 s1, s30  }
0xb9: {  	s0 =	sor.u32 s3, s0;
	s1 =	sshll.u32 s1, $0x11  }
0xba: {  	s0 =	sor.u32 s1, s0  }
0xbb: {  	s0 =	sadd.s32 $0x8F2B, s0  }
0xbc: {  	[sflag:s0] =	ssyncadd.remote.s32 $0x1  }
0xbd: {  	_ =	sfence.sel $0xFFFF  }
0xbe: {  	[dreg:$0x0] =	wrdreg $0xFFFFFFFF;
	(pc) =	sbr.abs _section_cstart, $3  }
0xbf: {  	[dreg:$0x1] =	wrdreg $0xFFFFFFFF  }
0xc0: {  	_ =	task.clear_ibuf [dreg:s6], $0x2FFFF;
	_ =	strace $0x9FFFFFFF  }
0xc1: {  	(tm) =	ssettm $0x7FFFFFFF  }
tec
execute0_lowered:
.L_overlay_start_1:
0x0: {  	(tag) =	ssettag $0x1  }
0x1: {  	s3 =	rddreg [dreg:$0x0]  }
0x2: {  	s0 =	rddreg [dreg:$0x1];
	s2 =	simm.s32 $0x0;
	s4 =	srdreg.scid  }
0x3: {  	s1 =	stileid.u32;
	s12 =	simm.s32 $0x4000;
	s13 =	simm.s32 $0x3  }
0x4: {  	s14 =	simm.s32 $0x8000;
	s15 =	simm.s32 $0x80;
	s16 =	simm.s32 $0x2  }
0x5: {  	s17 =	simm.s32 $0x0;
	[smem:$0x7FF] =	sst s2;
	s4 =	sand.u32 $0x1, s4  }
0x6: {  	s6 =	sshll.u32 s1, $0xB;
	s30 =	smul.u32 $0x420000, s1;
	s5 =	sshll.u32 s4, $0xF  }
0x7: {  	s7 =	smul.u32 $0x4200000, s4;
	s4 =	ssub.s32 $0x2, s4;
	s5 =	sor.u32 s6, s5  }
0x8: {  	_ =	strace $0x80000047;
	s8 =	sshrl.u32 s4, $0x1;
	s5 =	sadd.s32 s5, s3  }
0x9: {  	s3 =	sadd.s32 $0x21C00, s3;
	s8 =	ssub.s32 s4, s8;
	s9 =	sadd.s32 s30, s7  }
0xa: {  	s4 =	sadd.s32 $0x1C00, s5;
	s5 =	sadd.s32 $0x11C00, s5;
	s7 =	sor.u32 $0xC000, s9  }
0xb: {  	s6 =	smax.u32 s8, $0x1;
	s31 =	sor.u32 $0x8000, s9;
	s10 =	sor.u32 $0x4000, s9  }
0xc: {  	s11 =	sshrl.u32 s9, $0x3;
	s7 =	sshrl.u32 s7, $0x3;
	s8 =	sshrl.u32 s31, $0x3  }
0xd: {  	s10 =	sshrl.u32 s10, $0x3;
	s7 =	sadd.s32 s7, s3;
	s8 =	sadd.s32 s8, s3  }
0xe: {  	v0 =	vimm.f32 $0.0e+00;
	s9 =	sadd.s32 s10, s3;
	s10 =	sadd.s32 s11, s3;
	s11 =	simm.s32 $0x1  }
.LBB2_1:
0xf: {  	s18 =	simm.s32 $0x0  }
.LBB2_2:
0x10: {  	p0 =	sne.s32 s18, $0xFFC0  }
.Ltmp0:
0x11: {  	_ = 	snop;
	(pc) =	sbr.rel @p0 .LBB2_2-.Ltmp0, $3  }
0x12: {  	_ =	sdelay $0x1  }
0x13: {  	s19 =	sshra.s32 s18, $0x2  }
0x14: {  	s18 =	sadd.s32 $0x40, s18;
	[tilespmem:s19+$0x0] =	vst v0  }
0x15: {  	s18 =	sadd.s32 $0x0, s10  }
0x16: {  	[hbm4b:s18+s2] =	stream.linear.scatter [tilespmem:s2], [sflag:$0x1], $0x4000, $0x38;
	[tilespmem:$0xC000] =	vst v63  }
0x17: {  	s29 =	sadd.s32 $0x0, s9  }
0x18: {  	[hbm4b:s29+s2] =	stream.linear.scatter [tilespmem:s2], [sflag:$0x1], $0x4000, $0x38;
	[tilespmem:$0xC000] =	vst v63  }
0x19: {  	s30 =	sadd.s32 $0x0, s8  }
0x1a: {  	[hbm4b:s30+s2] =	stream.linear.scatter [tilespmem:s2], [sflag:$0x1], $0x4000, $0x38;
	[tilespmem:$0xC000] =	vst v63  }
0x1b: {  	s31 =	sadd.s32 $0x0, s7  }
0x1c: {  	[hbm4b:s31+s2] =	stream.linear.scatter [tilespmem:s2], [sflag:$0x1], $0x4000, $0x38;
	[tilespmem:$0xC000] =	vst v63  }
0x1d: {  	_ =	swait.ge [sflag:s11], $0x4000  }
0x1e: {  	[sflag:s11] =	ssyncset.done $0x0  }
0x1f: {  	[sflag:s11] =	ssyncadd.s32 $0xFFFFC000  }
0x20: {  	_ =	swait.ge [sflag:s11], $0x4000  }
0x21: {  	[sflag:s11] =	ssyncset.done $0x0  }
0x22: {  	[sflag:s11] =	ssyncadd.s32 $0xFFFFC000  }
0x23: {  	_ =	swait.ge [sflag:s11], $0x4000  }
0x24: {  	[sflag:s11] =	ssyncset.done $0x0  }
0x25: {  	[sflag:s11] =	ssyncadd.s32 $0xFFFFC000  }
0x26: {  	_ =	swait.ge [sflag:s11], $0x4000  }
0x27: {  	s19 =	simm.s32 $0x4000;
	s18 =	simm.s32 $0x2000;
	[sflag:s11] =	ssyncset.done $0x0  }
.LBB2_4:
0x28: {  	s20 =	sadd.s32 s18, s10  }
0x29: {  	[sflag:s11] =	ssyncadd.s32 $0xFFFFC000;
	s21 =	smov.u32 s19;
	s22 =	sadd.s32 $0x2000, s19  }
0x2a: {  	[hbm4b:s20+s2] =	stream.linear.scatter [tilespmem:s2], [sflag:$0x1], $0x4000, $0x38;
	[tilespmem:$0xC000] =	vst v63  }
0x2b: {  	p0 =	sne.s32 s19, $0x82000;
	s19 =	sadd.s32 s18, s9  }
0x2c: {  	[hbm4b:s19+s2] =	stream.linear.scatter [tilespmem:s2], [sflag:$0x1], $0x4000, $0x38;
	[tilespmem:$0xC000] =	vst v63  }
0x2d: {  	s19 =	sadd.s32 s18, s8  }
0x2e: {  	[hbm4b:s19+s2] =	stream.linear.scatter [tilespmem:s2], [sflag:$0x1], $0x4000, $0x38;
	[tilespmem:$0xC000] =	vst v63  }
0x2f: {  	s19 =	sadd.s32 s18, s7;
	s18 =	smov.u32 s21  }
0x30: {  	[hbm4b:s19+s2] =	stream.linear.scatter [tilespmem:s2], [sflag:$0x1], $0x4000, $0x38;
	[tilespmem:$0xC000] =	vst v63  }
0x31: {  	_ =	swait.ge [sflag:s11], $0x4000  }
0x32: {  	[sflag:s11] =	ssyncset.done $0x0  }
0x33: {  	[sflag:s11] =	ssyncadd.s32 $0xFFFFC000  }
0x34: {  	_ =	swait.ge [sflag:s11], $0x4000  }
0x35: {  	[sflag:s11] =	ssyncset.done $0x0  }
0x36: {  	[sflag:s11] =	ssyncadd.s32 $0xFFFFC000  }
.Ltmp1:
0x37: {  	_ =	swait.ge [sflag:s11], $0x4000;
	(pc) =	sbr.rel @p0 .LBB2_4-.Ltmp1, $4  }
0x38: {  	[sflag:s11] =	ssyncset.done $0x0  }
0x39: {  	[sflag:s11] =	ssyncadd.s32 $0xFFFFC000  }
0x3a: {  	_ =	swait.ge [sflag:s11], $0x4000  }
0x3b: {  	s19 =	smov.u32 s22;
	[sflag:s11] =	ssyncset.done $0x0  }
0x3c: {  	s19 =	sadd.s32 s18, s10;
	[sflag:s11] =	ssyncadd.s32 $0xFFFFC000  }
0x3d: {  	[hbm4b:s19+s2] =	stream.linear.scatter [tilespmem:s2], [sflag:$0x1], $0x4000, $0x38;
	[tilespmem:$0xC000] =	vst v63  }
0x3e: {  	s23 =	sadd.s32 s18, s9  }
0x3f: {  	[hbm4b:s23+s2] =	stream.linear.scatter [tilespmem:s2], [sflag:$0x1], $0x4000, $0x38;
	[tilespmem:$0xC000] =	vst v63  }
0x40: {  	s24 =	sadd.s32 s18, s8  }
0x41: {  	[hbm4b:s24+s2] =	stream.linear.scatter [tilespmem:s2], [sflag:$0x1], $0x4000, $0x38;
	[tilespmem:$0xC000] =	vst v63  }
0x42: {  	s25 =	sadd.s32 s18, s7  }
0x43: {  	[hbm4b:s25+s2] =	stream.linear.scatter [tilespmem:s2], [sflag:$0x1], $0x4000, $0x38;
	[tilespmem:$0xC000] =	vst v63  }
0x44: {  	_ =	swait.ge [sflag:s11], $0x4000  }
0x45: {  	[sflag:s11] =	ssyncset.done $0x0  }
0x46: {  	[sflag:s11] =	ssyncadd.s32 $0xFFFFC000  }
0x47: {  	_ =	swait.ge [sflag:s11], $0x4000  }
0x48: {  	[sflag:s11] =	ssyncset.done $0x0  }
0x49: {  	[sflag:s11] =	ssyncadd.s32 $0xFFFFC000  }
0x4a: {  	_ =	swait.ge [sflag:s11], $0x4000  }
0x4b: {  	[sflag:s11] =	ssyncset.done $0x0  }
0x4c: {  	[sflag:s11] =	ssyncadd.s32 $0xFFFFC000  }
0x4d: {  	_ =	swait.ge [sflag:s11], $0x4000  }
0x4e: {  	[sflag:s11] =	ssyncset.done $0x0  }
0x4f: {  	[sflag:s11] =	ssyncadd.s32 $0xFFFFC000  }
0x50: {  	s26 =	simm.s32 $0x0;
	[bflag:$0x0] =	sbarrier.arrive $0xFFFF  }
0x51: {  	[tilespmem:s12], [sflag:$0x3] =	stream.linear.gather [hbm4b:s4+s26], $0x3D00, $0x38;
	[tilespmem:$0xC000] =	vst v63  }
0x52: {  	_ =	swait.ge [sflag:s13], $0x3D00  }
0x53: {  	[sflag:s13] =	ssyncset.done $0x0  }
0x54: {  	[sflag:s13] =	ssyncadd.s32 $0xFFFFC300  }
0x55: {  	[tilespmem:s14], [sflag:$0x3] =	stream.linear.gather [hbm4b:s5+s26], $0x3D00, $0x38;
	[tilespmem:$0xC000] =	vst v63  }
0x56: {  	_ =	swait.ge [sflag:s13], $0x3D00  }
0x57: {  	[sflag:s13] =	ssyncset.done $0x0  }
0x58: {  	s28 =	simm.s32 $0x8000;
	s29 =	simm.s32 $0x4000;
	[sflag:s13] =	ssyncadd.s32 $0xFFFFC300  }
0x59: {  	[hbm4b:s3+s15] =	stream.indirect.scatter [tilespmem:s28], [sflag:$0x2], $0x1, s29, s15, $0xb8;
	[tilespmem:$0xC000] =	vst v63  }
0x5a: {  	s30 =	simm.s32 $0x8080;
	s31 =	simm.s32 $0x4080  }
0x5b: {  	[hbm4b:s3+s15] =	stream.indirect.scatter [tilespmem:s30], [sflag:$0x2], $0x1, s31, s15, $0xb8;
	[tilespmem:$0xC000] =	vst v63  }
0x5c: {  	_ =	swait.ge [sflag:s16], $0x80  }
0x5d: {  	[sflag:s16] =	ssyncset.done $0x0  }
0x5e: {  	[sflag:s16] =	ssyncadd.s32 $0xFFFFFF80  }
0x5f: {  	_ =	swait.ge [sflag:s16], $0x80  }
0x60: {  	s18 =	simm.s32 $0x100;
	s19 =	simm.s32 $0x800;
	[sflag:s16] =	ssyncset.done $0x0  }
.LBB2_6:
0x61: {  	s20 =	sadd.s32 $0x8000, s18;
	s21 =	sadd.s32 $0x4000, s18  }
0x62: {  	[sflag:s16] =	ssyncadd.s32 $0xFFFFFF80;
	s22 =	smov.u32 s19;
	p0 =	sne.s32 s19, $0xF000  }
0x63: {  	[hbm4b:s3+s15] =	stream.indirect.scatter [tilespmem:s20], [sflag:$0x2], $0x1, s21, s15, $0xb8;
	[tilespmem:$0xC000] =	vst v63  }
0x64: {  	s20 =	sadd.s32 $0x400, s19;
	s21 =	sadd.s32 $0x8080, s18;
	s18 =	sadd.s32 $0x4080, s18  }
0x65: {  	[hbm4b:s3+s15] =	stream.indirect.scatter [tilespmem:s21], [sflag:$0x2], $0x1, s18, s15, $0xb8;
	[tilespmem:$0xC000] =	vst v63  }
.Ltmp2:
0x66: {  	_ =	swait.ge [sflag:s16], $0x80;
	(pc) =	sbr.rel @p0 .LBB2_6-.Ltmp2, $4  }
0x67: {  	[sflag:s16] =	ssyncset.done $0x0  }
0x68: {  	[sflag:s16] =	ssyncadd.s32 $0xFFFFFF80  }
0x69: {  	_ =	swait.ge [sflag:s16], $0x80  }
0x6a: {  	s19 =	smov.u32 s20;
	s18 =	sshra.s32 s22, $0x2;
	[sflag:s16] =	ssyncset.done $0x0  }
0x6b: {  	s19 =	sadd.s32 $0x8000, s18;
	s20 =	sadd.s32 $0x4000, s18;
	[sflag:s16] =	ssyncadd.s32 $0xFFFFFF80  }
0x6c: {  	[hbm4b:s3+s15] =	stream.indirect.scatter [tilespmem:s19], [sflag:$0x2], $0x1, s20, s15, $0xb8;
	[tilespmem:$0xC000] =	vst v63  }
0x6d: {  	s30 =	sadd.s32 $0x8080, s18;
	s31 =	sadd.s32 $0x4080, s18;
	s17 =	sadd.s32 $0x1, s17  }
0x6e: {  	[hbm4b:s3+s15] =	stream.indirect.scatter [tilespmem:s30], [sflag:$0x2], $0x1, s31, s15, $0xb8;
	[tilespmem:$0xC000] =	vst v63  }
0x6f: {  	p0 =	sne.s32 s17, s6;
	_ =	swait.ge [sflag:s16], $0x80  }
.Ltmp3:
0x70: {  	[sflag:s16] =	ssyncset.done $0x0;
	(pc) =	sbr.rel @p0 .LBB2_1-.Ltmp3, $4  }
0x71: {  	[sflag:s16] =	ssyncadd.s32 $0xFFFFFF80  }
0x72: {  	_ =	swait.ge [sflag:s16], $0x80  }
0x73: {  	[sflag:s16] =	ssyncset.done $0x0  }
0x74: {  	[sflag:s16] =	ssyncadd.s32 $0xFFFFFF80  }
0x75: {  	_ =	sfence.sel $0x180000  }
0x76: {  	[bflag:$0x0] =	sbarrier.arrive $0xFFFF  }
0x77: {  	p0 =	sne.s32 s1, $0x0;
	_ =	strace $0x90000047  }
0x78: {  	s0 =	sadd.s32 @!p0 $0x100000, s0;
	[bflag:$0x2] =	sbarrier.arrive $0xFFFF  }
0x79: {  	[sflag:s0] =	ssyncadd.tile.s32 @!p0 $0x1;
	_ =	shalt  }
.Lfunc_end2:
_tile_overlayer_lowered:
.L_overlay_start_2:
0x7a: {  	(tag) =	ssettag $0x2  }
0x7b: {  	s0 =	rddreg [dreg:$0x0];
	s2 =	stileid.u32  }
0x7c: {  	s1 =	rddreg [dreg:$0x1];
	p0 =	sne.s32 s2, $0x0  }
0x7d: {  	s3 =	rddreg [dreg:$0x2];
	[bflag:$0x3] =	sbarrier.arrive $0xFFFF;
	s2 =	simm.s32 @!p0 $0x1C03  }
0x7e: {  	[timem:s3], [sflag:s2] =	dma.local @!p0 [hbm:s0], s1  }
0x7f: {  	s0 =	simm.s32 @!p0 $0x3  }
0x80: {  	_ =	swait.ge @!p0 [sflag:s0], s1  }
0x81: {  	s1 =	ssub.s32 @!p0 $0x0, s1;
	[sflag:s0] =	ssyncset.done @!p0 $0x0  }
0x82: {  	[sflag:s0] =	ssyncadd.s32 @!p0 s1  }
0x83: {  	[bflag:$0x3] =	sbarrier.arrive $0xFFFF  }
0x84: {  	_ =	shalt  }

</sc_bundles>
